<compile_context>
chip_gen: v7x
topology: tpu7x:2x2x1
jax: 0.10.2.dev20260603
libtpu: 0.0.44.dev20260713+nightly
codegen_flags: <defaults>
</compile_context>

<pallas_src>
import functools

import jax
import jax.numpy as jnp
from jax import lax
from jax.experimental import pallas as pl
from jax.experimental.pallas import tpu as pltpu
from jax.experimental.pallas import tpu_sc as plsc

N = 10000
D = 128
NC = 2
NS = 16
NW = NC * NS
CH = 128
GRP = 4
NPAD = N + 240
RPT = NPAD // NS
RB = 2000


def _mesh():
    return plsc.VectorSubcoreMesh(core_axis_name="c", subcore_axis_name="s")


def _deg_count(row2):
    nch = row2.shape[0] // NW
    ngrp = nch // GRP

    @functools.partial(
        pl.kernel,
        mesh=_mesh(),
        out_type=jax.ShapeDtypeStruct((NC, NPAD, 16), jnp.float32),
        scratch_types=[
            pltpu.VMEM_SHARED((NPAD, 16), jnp.float32),
            pltpu.VMEM((CH, 16), jnp.float32),
            pltpu.VMEM((RPT, 16), jnp.float32),
            pltpu.VMEM((CH,), jnp.int32),
            pltpu.VMEM((CH,), jnp.int32),
            pltpu.SemaphoreType.DMA,
            pltpu.SemaphoreType.DMA,
        ],
    )
    def deg_kernel(row_hbm, deg_hbm, deg_sh, ones_v, zero_v, iv0, iv1, s0, s1):
        cid = lax.axis_index("c")
        sid = lax.axis_index("s")
        wid = cid * NS + sid
        cb = wid * nch
        iv = (iv0, iv1)
        isem = (s0, s1)

        def fill(i, carry):
            ones_v[i] = jnp.full((16,), 1.0, jnp.float32)
            return carry

        lax.fori_loop(0, CH, fill, 0)

        def zfill(i, carry):
            zero_v[i] = jnp.zeros((16,), jnp.float32)
            return carry

        lax.fori_loop(0, RPT, zfill, 0)
        pltpu.sync_copy(zero_v, deg_sh.at[pl.ds(sid * RPT, RPT)])
        plsc.subcore_barrier()

        pltpu.async_copy(row_hbm.at[cb + 0], iv[0], isem[0])
        pltpu.async_copy(row_hbm.at[cb + 1], iv[1], isem[1])

        def body(c2, carry):
            for s in range(2):
                c = c2 * 2 + s
                pltpu.make_async_copy(row_hbm.at[cb + c], iv[s], isem[s]).wait()
                pltpu.sync_copy(ones_v, deg_sh.at[iv[s]], add=True)

                @pl.when(c + 2 < nch)
                def _():
                    pltpu.async_copy(row_hbm.at[cb + c + 2], iv[s], isem[s])

            return carry

        lax.fori_loop(0, nch // 2, body, 0)
        plsc.subcore_barrier()
        pltpu.sync_copy(
            deg_sh.at[pl.ds(sid * RPT, RPT)],
            deg_hbm.at[cid, pl.ds(sid * RPT, RPT)],
        )

    return deg_kernel(row2)


def _edge_scatter(g, row2, col2):
    nch = row2.shape[0] // NW
    ngrp = nch // GRP

    @functools.partial(
        pl.kernel,
        mesh=_mesh(),
        out_type=jax.ShapeDtypeStruct((NC, NPAD, D), jnp.float32),
        scratch_types=[
            pltpu.VMEM_SHARED((NPAD, D), jnp.float32),
            pltpu.VMEM((CH, D), jnp.float32),
            pltpu.VMEM((CH, D), jnp.float32),
        ]
        + [pltpu.VMEM((CH,), jnp.int32) for _ in range(4)]
        + [pltpu.SemaphoreType.DMA for _ in range(4)],
    )
    def scat_kernel(g_hbm, row_hbm, col_hbm, acc_hbm, acc_sh,
                    gb0, gb1, rv0, rv1, cv0, cv1, i0, i1, gs0, gs1):
        cid = lax.axis_index("c")
        sid = lax.axis_index("s")
        wid = cid * NS + sid
        cb = wid * nch
        gb = (gb0, gb1)
        rv = (rv0, rv1)
        cv = (cv0, cv1)
        isem = (i0, i1)
        gsem = (gs0, gs1)

        def z(i, carry):
            for j in range(D // 16):
                gb0[i, pl.ds(j * 16, 16)] = jnp.zeros((16,), jnp.float32)
            return carry

        lax.fori_loop(0, CH, z, 0)
        r0 = sid * RPT
        for k in range(RPT // CH):
            pltpu.sync_copy(gb0, acc_sh.at[pl.ds(r0 + k * CH, CH)])
        rem = RPT % CH
        if rem:
            pltpu.sync_copy(
                gb0.at[pl.ds(0, rem)],
                acc_sh.at[pl.ds(r0 + (RPT // CH) * CH, rem)],
            )
        plsc.subcore_barrier()

        def idx_start(c, s):
            pltpu.async_copy(row_hbm.at[cb + c], rv[s], isem[s])
            pltpu.async_copy(col_hbm.at[cb + c], cv[s], isem[s])

        def idx_wait(c, s):
            pltpu.make_async_copy(row_hbm.at[cb + c], rv[s], isem[s]).wait()
            pltpu.make_async_copy(col_hbm.at[cb + c], cv[s], isem[s]).wait()

        idx_start(0, 0)
        idx_start(1, 1)
        idx_wait(0, 0)
        pltpu.async_copy(g_hbm.at[cv[0]], gb[0], gsem[0])

        def body(c2, carry):
            for s in range(2):
                c = c2 * 2 + s
                s1 = 1 - s

                @pl.when(c + 1 < nch)
                def _():
                    idx_wait(c + 1, s1)
                    pltpu.async_copy(g_hbm.at[cv[s1]], gb[s1], gsem[s1])

                pltpu.make_async_copy(g_hbm.at[cv[s]], gb[s], gsem[s]).wait()
                pltpu.sync_copy(gb[s], acc_sh.at[rv[s]], add=True)

                @pl.when(c + 2 < nch)
                def _():
                    idx_start(c + 2, s)

            return carry

        lax.fori_loop(0, nch // 2, body, 0)
        plsc.subcore_barrier()
        pltpu.sync_copy(
            acc_sh.at[pl.ds(r0, RPT)],
            acc_hbm.at[cid, pl.ds(r0, RPT)],
        )

    return scat_kernel(g, row2, col2)


def _mm_body(x_ref, w_ref, b_ref, h_ref):
    h_ref[...] = jnp.dot(
        x_ref[...], w_ref[...], preferred_element_type=jnp.float32
    ) + b_ref[...]


def _matmul(x, W, b2):
    return pl.pallas_call(
        _mm_body,
        grid=(N // RB,),
        in_specs=[
            pl.BlockSpec((RB, D), lambda i: (i, 0)),
            pl.BlockSpec((D, D), lambda i: (0, 0)),
            pl.BlockSpec((1, D), lambda i: (0, 0)),
        ],
        out_specs=pl.BlockSpec((RB, D), lambda i: (i, 0)),
        out_shape=jax.ShapeDtypeStruct((N, D), jnp.float32),
    )(x, W, b2)


def _ps_body(deg_ref, h_ref, g_ref):
    d = deg_ref[0, :, 0:1] + deg_ref[1, :, 0:1] + 1.0
    dis = lax.rsqrt(d + 1e-12)
    g_ref[...] = h_ref[...] * dis


def _prescale(degp, h):
    return pl.pallas_call(
        _ps_body,
        grid=(N // RB,),
        in_specs=[
            pl.BlockSpec((NC, RB, 16), lambda i: (0, i, 0)),
            pl.BlockSpec((RB, D), lambda i: (i, 0)),
        ],
        out_specs=pl.BlockSpec((RB, D), lambda i: (i, 0)),
        out_shape=jax.ShapeDtypeStruct((N, D), jnp.float32),
    )(degp, h)


def _comb_body(deg_ref, acc_ref, g_ref, out_ref):
    d = deg_ref[0, :, 0:1] + deg_ref[1, :, 0:1] + 1.0
    dis = lax.rsqrt(d + 1e-12)
    s = acc_ref[0] + acc_ref[1] + g_ref[...]
    out_ref[...] = s * dis


def _combine(degp, accp, g):
    return pl.pallas_call(
        _comb_body,
        grid=(N // RB,),
        in_specs=[
            pl.BlockSpec((NC, RB, 16), lambda i: (0, i, 0)),
            pl.BlockSpec((NC, RB, D), lambda i: (0, i, 0)),
            pl.BlockSpec((RB, D), lambda i: (i, 0)),
        ],
        out_specs=pl.BlockSpec((RB, D), lambda i: (i, 0)),
        out_shape=jax.ShapeDtypeStruct((N, D), jnp.float32),
    )(degp, accp, g)


def kernel(x, edge_index, W, b):
    E = edge_index.shape[1]
    unit = NW * CH * GRP
    e_pad = ((E + unit - 1) // unit) * unit
    pad = e_pad - E
    row = edge_index[0]
    col = edge_index[1]
    ar = jnp.arange(pad, dtype=jnp.int32)
    row_p = jnp.concatenate([row, N + (ar % 16)])
    col_p = jnp.concatenate([col, (ar * 2003) % N])
    row2 = row_p.reshape(-1, CH)
    col2 = col_p.reshape(-1, CH)

    h = _matmul(x, W, b.reshape(1, D))
    degp = _deg_count(row2)
    g = _prescale(degp, h)
    accp = _edge_scatter(g, row2, col2)
    return _combine(degp, accp, g)

# --- scband reference (transcript-rebuilt; emitter-appended) ---
"""Pipeline reference for scband-gcnlayer-17695265259719 (READ-ONLY COPY).

The authoritative reference and input builder live on the scoring server;
editing this copy changes nothing except your own understanding.
"""

import jax, jax.numpy as jnp
import numpy as np

N = 10000
E = 320000
D_IN = 128
D_OUT = 128


def setup_inputs(seed: int = 0) -> dict:
    key = jax.random.key(seed)
    k1, k2, k3, k4 = jax.random.split(key, 4)
    x = jax.random.normal(k1, (N, D_IN), dtype=jnp.float32)
    edge_index = jax.random.randint(k2, (2, E), 0, N, dtype=jnp.int32)
    # nn.Linear(in_dim, out_dim) parameters; stored as [in, out] so h = x @ W + b
    W = jax.random.normal(k3, (D_IN, D_OUT), dtype=jnp.float32) * (1.0 / np.sqrt(D_IN))
    b = jax.random.normal(k4, (D_OUT,), dtype=jnp.float32) * 0.01
    return {"x": x, "edge_index": edge_index, "W": W, "b": b}


def reference(x, edge_index, W, b):
    n = x.shape[0]
    row = edge_index[0]
    col = edge_index[1]
    self_loops = jnp.arange(n, dtype=row.dtype)
    row = jnp.concatenate([row, self_loops], axis=0)
    col = jnp.concatenate([col, self_loops], axis=0)
    deg = jnp.zeros((n,), dtype=jnp.float32).at[row].add(jnp.ones_like(row, dtype=jnp.float32))
    deg_inv_sqrt = jnp.power(deg + 1e-12, -0.5)
    norm = deg_inv_sqrt[row] * deg_inv_sqrt[col]
    h = x @ W + b
    msg = h[col] * norm[:, None]
    out = jnp.zeros_like(h).at[row].add(msg)
    return out

if __name__ == "__main__":
    import jax
    _d = setup_inputs()
    print(jax.jit(kernel)(*tuple(_d.values())))

</pallas_src>

<mosaic_0001>
#map = affine_map<(d0, d1) -> (0, 0)>
#map1 = affine_map<(d0, d1) -> (0, 0, 0)>
module attributes {stable_mosaic.version = 14 : i64} {
  func.func @deg_kernel(%arg0: i32, %arg1: i32, %arg2: memref<2560x128xi32, #tpu.memory_space<hbm>>, %arg3: memref<2x10240x16xf32, #tpu.memory_space<hbm>>, %arg4: memref<10240x16xf32, #tpu.memory_space<vmem_shared>>, %arg5: memref<128x16xf32, #tpu.memory_space<vmem>>, %arg6: memref<640x16xf32, #tpu.memory_space<vmem>>, %arg7: memref<128xi32, #tpu.memory_space<vmem>>, %arg8: memref<128xi32, #tpu.memory_space<vmem>>, %arg9: memref<!tpu.dma_semaphore, #tpu.memory_space<semaphore_mem>>, %arg10: memref<!tpu.dma_semaphore, #tpu.memory_space<semaphore_mem>>) attributes {dimension_semantics = [#tpu.dimension_semantics<core_parallel>, #tpu.dimension_semantics<subcore_parallel>], iteration_bounds = array<i64: 2, 16>, scalar_prefetch = 0 : i64, scratch_operands = 7 : i64, tpu.core_type = #tpu.core_type<sc_vector_subcore>, window_params = [{transform_indices = #map}, {transform_indices = #map1}]} {
    %mul3A = arith.constant 16 : i32
    %mul3A_0 = arith.muli %arg0, %mul3A : i32
    %add3A = arith.addi %mul3A_0, %arg1 : i32
    %mul3A_1 = arith.constant 80 : i32
    %mul3A_2 = arith.muli %add3A, %mul3A_1 : i32
    %scan3A = arith.constant 0 : i32
    %scan3A_3 = arith.constant 0 : i32
    %scan3A_4 = arith.constant 128 : i32
    %scan3A_5 = arith.addi %scan3A_3, %scan3A_4 : i32
    %scan3A_6 = arith.constant 1 : i32
    scf.for %scan3A_42 = %scan3A_3 to %scan3A_5 step %scan3A_6  : i32 {
      %broadcast_in_dim3A = arith.constant 1.000000e+00 : f32
      %broadcast_in_dim3A_43 = vector.broadcast %broadcast_in_dim3A : f32 to vector<16xf32>
      %swap3A = arith.index_cast %scan3A_42 : i32 to index
      %swap3A_44 = arith.constant 0 : index
      %swap3A_45 = tpu.vector_load %arg5[%swap3A, %swap3A_44] {strides = array<i32>} : memref<128x16xf32, #tpu.memory_space<vmem>>, vector<1x16xf32>,
      %swap3A_46 = vector.shape_cast %swap3A_45 : vector<1x16xf32> to vector<16xf32>
      %swap3A_47 = vector.shape_cast %broadcast_in_dim3A_43 : vector<16xf32> to vector<1x16xf32>
      tpu.vector_store %arg5[%swap3A, %swap3A_44], %swap3A_47 {strides = array<i32>} : memref<128x16xf32, #tpu.memory_space<vmem>>, vector<1x16xf32>,
    }
    %scan3A_7 = arith.constant 128 : i32
    %scan3A_8 = arith.constant 0 : i32
    %scan3A_9 = arith.constant 0 : i32
    %scan3A_10 = arith.constant 640 : i32
    %scan3A_11 = arith.addi %scan3A_9, %scan3A_10 : i32
    %scan3A_12 = arith.constant 1 : i32
    scf.for %scan3A_42 = %scan3A_9 to %scan3A_11 step %scan3A_12  : i32 {
      %broadcast_in_dim3A = arith.constant 0.000000e+00 : f32
      %broadcast_in_dim3A_43 = vector.broadcast %broadcast_in_dim3A : f32 to vector<16xf32>
      %swap3A = arith.index_cast %scan3A_42 : i32 to index
      %swap3A_44 = arith.constant 0 : index
      %swap3A_45 = tpu.vector_load %arg6[%swap3A, %swap3A_44] {strides = array<i32>} : memref<640x16xf32, #tpu.memory_space<vmem>>, vector<1x16xf32>,
      %swap3A_46 = vector.shape_cast %swap3A_45 : vector<1x16xf32> to vector<16xf32>
      %swap3A_47 = vector.shape_cast %broadcast_in_dim3A_43 : vector<16xf32> to vector<1x16xf32>
      tpu.vector_store %arg6[%swap3A, %swap3A_44], %swap3A_47 {strides = array<i32>} : memref<640x16xf32, #tpu.memory_space<vmem>>, vector<1x16xf32>,
    }
    %scan3A_13 = arith.constant 640 : i32
    %mul3A_14 = arith.constant 640 : i32
    %mul3A_15 = arith.muli %arg1, %mul3A_14 : i32
    "tpu.region"() ({
      %run_scoped3A = tpu.sem_alloc : memref<!tpu.dma_semaphore, #tpu.memory_space<semaphore_mem>>
      %dma_start3A_42 = arith.constant 0 : i32
      %dma_start3A_43 = tpu.memref_slice %arg4[%mul3A_15, %dma_start3A_42] : memref<10240x16xf32, #tpu.memory_space<vmem_shared>> -> memref<640x16xf32, #tpu.memory_space<vmem_shared>>
      %dma_start3A_44 = arith.constant 0 : i32
      %dma_start3A_45 = tpu.memref_slice %arg4[%mul3A_15, %dma_start3A_44] : memref<10240x16xf32, #tpu.memory_space<vmem_shared>> -> memref<640x16xf32, #tpu.memory_space<vmem_shared>>
      tpu.enqueue_dma source(%arg6 : memref<640x16xf32, #tpu.memory_space<vmem>>) target(%dma_start3A_45 : memref<640x16xf32, #tpu.memory_space<vmem_shared>>) target_semaphore(%run_scoped3A : memref<!tpu.dma_semaphore, #tpu.memory_space<semaphore_mem>>)
      %dma_wait3A = arith.constant 0 : i32
      %dma_wait3A_46 = tpu.memref_slice %arg4[%mul3A_15, %dma_wait3A] : memref<10240x16xf32, #tpu.memory_space<vmem_shared>> -> memref<640x16xf32, #tpu.memory_space<vmem_shared>>
      %dma_wait3A_47 = arith.constant 0 : i32
      %dma_wait3A_48 = tpu.memref_slice %arg4[%mul3A_15, %dma_wait3A_47] : memref<10240x16xf32, #tpu.memory_space<vmem_shared>> -> memref<640x16xf32, #tpu.memory_space<vmem_shared>>
      tpu.wait_dma2 semaphore(%run_scoped3A : memref<!tpu.dma_semaphore, #tpu.memory_space<semaphore_mem>>) src(%arg6 : memref<640x16xf32, #tpu.memory_space<vmem>>) dst(%dma_wait3A_48 : memref<640x16xf32, #tpu.memory_space<vmem_shared>>)
      tpu.yield
    }) : () -> ()
    %barrier3A = arith.constant 0 : index
    tpu.barrier barrier_id(%barrier3A)
    %add3A_16 = arith.constant 0 : i32
    %add3A_17 = arith.addi %mul3A_2, %add3A_16 : i32
    %dma_start3A = arith.constant 0 : i32
    %dma_start3A_18 = tpu.memref_slice %arg2[%add3A_17, %dma_start3A] : memref<2560x128xi32, #tpu.memory_space<hbm>> -> memref<1x128xi32, #tpu.memory_space<hbm>>
    %dma_start3A_19 = tpu.memref_squeeze %dma_start3A_18 : memref<1x128xi32, #tpu.memory_space<hbm>> -> memref<128xi32, #tpu.memory_space<hbm>>
    %dma_start3A_20 = arith.constant 0 : i32
    %dma_start3A_21 = tpu.memref_slice %arg2[%add3A_17, %dma_start3A_20] : memref<2560x128xi32, #tpu.memory_space<hbm>> -> memref<1x128xi32, #tpu.memory_space<hbm>>
    %dma_start3A_22 = tpu.memref_squeeze %dma_start3A_21 : memref<1x128xi32, #tpu.memory_space<hbm>> -> memref<128xi32, #tpu.memory_space<hbm>>
    tpu.enqueue_dma source(%dma_start3A_22 : memref<128xi32, #tpu.memory_space<hbm>>) target(%arg7 : memref<128xi32, #tpu.memory_space<vmem>>) target_semaphore(%arg9 : memref<!tpu.dma_semaphore, #tpu.memory_space<semaphore_mem>>)
    %add3A_23 = arith.constant 1 : i32
    %add3A_24 = arith.addi %mul3A_2, %add3A_23 : i32
    %dma_start3A_25 = arith.constant 0 : i32
    %dma_start3A_26 = tpu.memref_slice %arg2[%add3A_24, %dma_start3A_25] : memref<2560x128xi32, #tpu.memory_space<hbm>> -> memref<1x128xi32, #tpu.memory_space<hbm>>
    %dma_start3A_27 = tpu.memref_squeeze %dma_start3A_26 : memref<1x128xi32, #tpu.memory_space<hbm>> -> memref<128xi32, #tpu.memory_space<hbm>>
    %dma_start3A_28 = arith.constant 0 : i32
    %dma_start3A_29 = tpu.memref_slice %arg2[%add3A_24, %dma_start3A_28] : memref<2560x128xi32, #tpu.memory_space<hbm>> -> memref<1x128xi32, #tpu.memory_space<hbm>>
    %dma_start3A_30 = tpu.memref_squeeze %dma_start3A_29 : memref<1x128xi32, #tpu.memory_space<hbm>> -> memref<128xi32, #tpu.memory_space<hbm>>
    tpu.enqueue_dma source(%dma_start3A_30 : memref<128xi32, #tpu.memory_space<hbm>>) target(%arg8 : memref<128xi32, #tpu.memory_space<vmem>>) target_semaphore(%arg10 : memref<!tpu.dma_semaphore, #tpu.memory_space<semaphore_mem>>)
    %scan3A_31 = arith.constant 0 : i32
    %scan3A_32 = arith.constant 0 : i32
    %scan3A_33 = arith.constant 40 : i32
    %scan3A_34 = arith.addi %scan3A_32, %scan3A_33 : i32
    %scan3A_35 = arith.constant 1 : i32
    scf.for %scan3A_42 = %scan3A_32 to %scan3A_34 step %scan3A_35  : i32 {
      %mul3A_43 = arith.constant 2 : i32
      %mul3A_44 = arith.muli %scan3A_42, %mul3A_43 : i32
      %add3A_45 = arith.constant 0 : i32
      %add3A_46 = arith.addi %mul3A_44, %add3A_45 : i32
      %add3A_47 = arith.addi %mul3A_2, %add3A_46 : i32
      %dma_wait3A = arith.constant 0 : i32
      %dma_wait3A_48 = tpu.memref_slice %arg2[%add3A_47, %dma_wait3A] : memref<2560x128xi32, #tpu.memory_space<hbm>> -> memref<1x128xi32, #tpu.memory_space<hbm>>
      %dma_wait3A_49 = tpu.memref_squeeze %dma_wait3A_48 : memref<1x128xi32, #tpu.memory_space<hbm>> -> memref<128xi32, #tpu.memory_space<hbm>>
      %dma_wait3A_50 = arith.constant 0 : i32
      %dma_wait3A_51 = tpu.memref_slice %arg2[%add3A_47, %dma_wait3A_50] : memref<2560x128xi32, #tpu.memory_space<hbm>> -> memref<1x128xi32, #tpu.memory_space<hbm>>
      %dma_wait3A_52 = tpu.memref_squeeze %dma_wait3A_51 : memref<1x128xi32, #tpu.memory_space<hbm>> -> memref<128xi32, #tpu.memory_space<hbm>>
      tpu.wait_dma2 semaphore(%arg9 : memref<!tpu.dma_semaphore, #tpu.memory_space<semaphore_mem>>) src(%dma_wait3A_52 : memref<128xi32, #tpu.memory_space<hbm>>) dst(%arg7 : memref<128xi32, #tpu.memory_space<vmem>>)
      "tpu.region"() ({
        %run_scoped3A = tpu.sem_alloc : memref<!tpu.dma_semaphore, #tpu.memory_space<semaphore_mem>>
        %dma_start3A_75 = arith.constant 0 : i32
        %dma_start3A_76 = arith.constant 0 : i32
        %dma_start3A_77 = tpu.memref_slice %arg4[%dma_start3A_75, %dma_start3A_76] : memref<10240x16xf32, #tpu.memory_space<vmem_shared>> -> memref<10240x16xf32, #tpu.memory_space<vmem_shared>>
        tpu.enqueue_indirect_dma source(%arg5 : memref<128x16xf32, #tpu.memory_space<vmem>>) target(%dma_start3A_77 : memref<10240x16xf32, #tpu.memory_space<vmem_shared>>) offsets(%arg7 : memref<128xi32, #tpu.memory_space<vmem>>) semaphore(%run_scoped3A : memref<!tpu.dma_semaphore, #tpu.memory_space<semaphore_mem>>) {add = true}
        %dma_wait3A_78 = arith.constant 0 : i32
        %dma_wait3A_79 = arith.constant 0 : i32
        %dma_wait3A_80 = tpu.memref_slice %arg4[%dma_wait3A_78, %dma_wait3A_79] : memref<10240x16xf32, #tpu.memory_space<vmem_shared>> -> memref<10240x16xf32, #tpu.memory_space<vmem_shared>>
        tpu.wait_indirect_dma semaphore(%run_scoped3A : memref<!tpu.dma_semaphore, #tpu.memory_space<semaphore_mem>>) src(%arg5 : memref<128x16xf32, #tpu.memory_space<vmem>>) dst(%dma_wait3A_80 : memref<10240x16xf32, #tpu.memory_space<vmem_shared>>)
        tpu.yield
      }) : () -> ()
      %add3A_53 = arith.constant 2 : i32
      %add3A_54 = arith.addi %add3A_46, %add3A_53 : i32
      %lt3A = arith.constant 80 : i32
      %lt3A_55 = arith.cmpi slt, %add3A_54, %lt3A : i32
      %convert_element_type3A = arith.extui %lt3A_55 : i1 to i32
      %cond3A = arith.constant 0 : i32
      %cond3A_56 = arith.cmpi ne, %convert_element_type3A, %cond3A : i32
      scf.if %cond3A_56 {
        %add3A_75 = arith.addi %mul3A_2, %add3A_46 : i32
        %add3A_76 = arith.constant 2 : i32
        %add3A_77 = arith.addi %add3A_75, %add3A_76 : i32
        %dma_start3A_78 = arith.constant 0 : i32
        %dma_start3A_79 = tpu.memref_slice %arg2[%add3A_77, %dma_start3A_78] : memref<2560x128xi32, #tpu.memory_space<hbm>> -> memref<1x128xi32, #tpu.memory_space<hbm>>
        %dma_start3A_80 = tpu.memref_squeeze %dma_start3A_79 : memref<1x128xi32, #tpu.memory_space<hbm>> -> memref<128xi32, #tpu.memory_space<hbm>>
        %dma_start3A_81 = arith.constant 0 : i32
        %dma_start3A_82 = tpu.memref_slice %arg2[%add3A_77, %dma_start3A_81] : memref<2560x128xi32, #tpu.memory_space<hbm>> -> memref<1x128xi32, #tpu.memory_space<hbm>>
        %dma_start3A_83 = tpu.memref_squeeze %dma_start3A_82 : memref<1x128xi32, #tpu.memory_space<hbm>> -> memref<128xi32, #tpu.memory_space<hbm>>
        tpu.enqueue_dma source(%dma_start3A_83 : memref<128xi32, #tpu.memory_space<hbm>>) target(%arg7 : memref<128xi32, #tpu.memory_space<vmem>>) target_semaphore(%arg9 : memref<!tpu.dma_semaphore, #tpu.memory_space<semaphore_mem>>)
      } else {
      }
      %mul3A_57 = arith.constant 2 : i32
      %mul3A_58 = arith.muli %scan3A_42, %mul3A_57 : i32
      %add3A_59 = arith.constant 1 : i32
      %add3A_60 = arith.addi %mul3A_58, %add3A_59 : i32
      %add3A_61 = arith.addi %mul3A_2, %add3A_60 : i32
      %dma_wait3A_62 = arith.constant 0 : i32
      %dma_wait3A_63 = tpu.memref_slice %arg2[%add3A_61, %dma_wait3A_62] : memref<2560x128xi32, #tpu.memory_space<hbm>> -> memref<1x128xi32, #tpu.memory_space<hbm>>
      %dma_wait3A_64 = tpu.memref_squeeze %dma_wait3A_63 : memref<1x128xi32, #tpu.memory_space<hbm>> -> memref<128xi32, #tpu.memory_space<hbm>>
      %dma_wait3A_65 = arith.constant 0 : i32
      %dma_wait3A_66 = tpu.memref_slice %arg2[%add3A_61, %dma_wait3A_65] : memref<2560x128xi32, #tpu.memory_space<hbm>> -> memref<1x128xi32, #tpu.memory_space<hbm>>
      %dma_wait3A_67 = tpu.memref_squeeze %dma_wait3A_66 : memref<1x128xi32, #tpu.memory_space<hbm>> -> memref<128xi32, #tpu.memory_space<hbm>>
      tpu.wait_dma2 semaphore(%arg10 : memref<!tpu.dma_semaphore, #tpu.memory_space<semaphore_mem>>) src(%dma_wait3A_67 : memref<128xi32, #tpu.memory_space<hbm>>) dst(%arg8 : memref<128xi32, #tpu.memory_space<vmem>>)
      "tpu.region"() ({
        %run_scoped3A = tpu.sem_alloc : memref<!tpu.dma_semaphore, #tpu.memory_space<semaphore_mem>>
        %dma_start3A_75 = arith.constant 0 : i32
        %dma_start3A_76 = arith.constant 0 : i32
        %dma_start3A_77 = tpu.memref_slice %arg4[%dma_start3A_75, %dma_start3A_76] : memref<10240x16xf32, #tpu.memory_space<vmem_shared>> -> memref<10240x16xf32, #tpu.memory_space<vmem_shared>>
        tpu.enqueue_indirect_dma source(%arg5 : memref<128x16xf32, #tpu.memory_space<vmem>>) target(%dma_start3A_77 : memref<10240x16xf32, #tpu.memory_space<vmem_shared>>) offsets(%arg8 : memref<128xi32, #tpu.memory_space<vmem>>) semaphore(%run_scoped3A : memref<!tpu.dma_semaphore, #tpu.memory_space<semaphore_mem>>) {add = true}
        %dma_wait3A_78 = arith.constant 0 : i32
        %dma_wait3A_79 = arith.constant 0 : i32
        %dma_wait3A_80 = tpu.memref_slice %arg4[%dma_wait3A_78, %dma_wait3A_79] : memref<10240x16xf32, #tpu.memory_space<vmem_shared>> -> memref<10240x16xf32, #tpu.memory_space<vmem_shared>>
        tpu.wait_indirect_dma semaphore(%run_scoped3A : memref<!tpu.dma_semaphore, #tpu.memory_space<semaphore_mem>>) src(%arg5 : memref<128x16xf32, #tpu.memory_space<vmem>>) dst(%dma_wait3A_80 : memref<10240x16xf32, #tpu.memory_space<vmem_shared>>)
        tpu.yield
      }) : () -> ()
      %add3A_68 = arith.constant 2 : i32
      %add3A_69 = arith.addi %add3A_60, %add3A_68 : i32
      %lt3A_70 = arith.constant 80 : i32
      %lt3A_71 = arith.cmpi slt, %add3A_69, %lt3A_70 : i32
      %convert_element_type3A_72 = arith.extui %lt3A_71 : i1 to i32
      %cond3A_73 = arith.constant 0 : i32
      %cond3A_74 = arith.cmpi ne, %convert_element_type3A_72, %cond3A_73 : i32
      scf.if %cond3A_74 {
        %add3A_75 = arith.addi %mul3A_2, %add3A_60 : i32
        %add3A_76 = arith.constant 2 : i32
        %add3A_77 = arith.addi %add3A_75, %add3A_76 : i32
        %dma_start3A_78 = arith.constant 0 : i32
        %dma_start3A_79 = tpu.memref_slice %arg2[%add3A_77, %dma_start3A_78] : memref<2560x128xi32, #tpu.memory_space<hbm>> -> memref<1x128xi32, #tpu.memory_space<hbm>>
        %dma_start3A_80 = tpu.memref_squeeze %dma_start3A_79 : memref<1x128xi32, #tpu.memory_space<hbm>> -> memref<128xi32, #tpu.memory_space<hbm>>
        %dma_start3A_81 = arith.constant 0 : i32
        %dma_start3A_82 = tpu.memref_slice %arg2[%add3A_77, %dma_start3A_81] : memref<2560x128xi32, #tpu.memory_space<hbm>> -> memref<1x128xi32, #tpu.memory_space<hbm>>
        %dma_start3A_83 = tpu.memref_squeeze %dma_start3A_82 : memref<1x128xi32, #tpu.memory_space<hbm>> -> memref<128xi32, #tpu.memory_space<hbm>>
        tpu.enqueue_dma source(%dma_start3A_83 : memref<128xi32, #tpu.memory_space<hbm>>) target(%arg8 : memref<128xi32, #tpu.memory_space<vmem>>) target_semaphore(%arg10 : memref<!tpu.dma_semaphore, #tpu.memory_space<semaphore_mem>>)
      } else {
      }
    }
    %scan3A_36 = arith.constant 40 : i32
    %barrier3A_37 = arith.constant 0 : index
    tpu.barrier barrier_id(%barrier3A_37)
    %mul3A_38 = arith.constant 640 : i32
    %mul3A_39 = arith.muli %arg1, %mul3A_38 : i32
    %mul3A_40 = arith.constant 640 : i32
    %mul3A_41 = arith.muli %arg1, %mul3A_40 : i32
    "tpu.region"() ({
      %run_scoped3A = tpu.sem_alloc : memref<!tpu.dma_semaphore, #tpu.memory_space<semaphore_mem>>
      %dma_start3A_42 = arith.constant 0 : i32
      %dma_start3A_43 = tpu.memref_slice %arg3[%arg0, %mul3A_41, %dma_start3A_42] : memref<2x10240x16xf32, #tpu.memory_space<hbm>> -> memref<1x640x16xf32, #tpu.memory_space<hbm>>
      %dma_start3A_44 = tpu.memref_squeeze %dma_start3A_43 : memref<1x640x16xf32, #tpu.memory_space<hbm>> -> memref<640x16xf32, #tpu.memory_space<hbm>>
      %dma_start3A_45 = arith.constant 0 : i32
      %dma_start3A_46 = tpu.memref_slice %arg4[%mul3A_39, %dma_start3A_45] : memref<10240x16xf32, #tpu.memory_space<vmem_shared>> -> memref<640x16xf32, #tpu.memory_space<vmem_shared>>
      tpu.enqueue_dma source(%dma_start3A_46 : memref<640x16xf32, #tpu.memory_space<vmem_shared>>) target(%dma_start3A_44 : memref<640x16xf32, #tpu.memory_space<hbm>>) target_semaphore(%run_scoped3A : memref<!tpu.dma_semaphore, #tpu.memory_space<semaphore_mem>>)
      %dma_wait3A = arith.constant 0 : i32
      %dma_wait3A_47 = tpu.memref_slice %arg3[%arg0, %mul3A_41, %dma_wait3A] : memref<2x10240x16xf32, #tpu.memory_space<hbm>> -> memref<1x640x16xf32, #tpu.memory_space<hbm>>
      %dma_wait3A_48 = tpu.memref_squeeze %dma_wait3A_47 : memref<1x640x16xf32, #tpu.memory_space<hbm>> -> memref<640x16xf32, #tpu.memory_space<hbm>>
      %dma_wait3A_49 = arith.constant 0 : i32
      %dma_wait3A_50 = tpu.memref_slice %arg4[%mul3A_39, %dma_wait3A_49] : memref<10240x16xf32, #tpu.memory_space<vmem_shared>> -> memref<640x16xf32, #tpu.memory_space<vmem_shared>>
      tpu.wait_dma2 semaphore(%run_scoped3A : memref<!tpu.dma_semaphore, #tpu.memory_space<semaphore_mem>>) src(%dma_wait3A_50 : memref<640x16xf32, #tpu.memory_space<vmem_shared>>) dst(%dma_wait3A_48 : memref<640x16xf32, #tpu.memory_space<hbm>>)
      tpu.yield
    }) : () -> ()
    return
  }
}

#map = affine_map<(d0, d1) -> (0, 0)>
#map1 = affine_map<(d0, d1) -> (0, 0, 0)>
module attributes {stable_mosaic.version = 14 : i64} {
  func.func @scat_kernel(%arg0: i32, %arg1: i32, %arg2: memref<10000x128xf32, #tpu.memory_space<hbm>>, %arg3: memref<2560x128xi32, #tpu.memory_space<hbm>>, %arg4: memref<2560x128xi32, #tpu.memory_space<hbm>>, %arg5: memref<2x10240x128xf32, #tpu.memory_space<hbm>>, %arg6: memref<10240x128xf32, #tpu.memory_space<vmem_shared>>, %arg7: memref<128x128xf32, #tpu.memory_space<vmem>>, %arg8: memref<128x128xf32, #tpu.memory_space<vmem>>, %arg9: memref<128xi32, #tpu.memory_space<vmem>>, %arg10: memref<128xi32, #tpu.memory_space<vmem>>, %arg11: memref<128xi32, #tpu.memory_space<vmem>>, %arg12: memref<128xi32, #tpu.memory_space<vmem>>, %arg13: memref<!tpu.dma_semaphore, #tpu.memory_space<semaphore_mem>>, %arg14: memref<!tpu.dma_semaphore, #tpu.memory_space<semaphore_mem>>, %arg15: memref<!tpu.dma_semaphore, #tpu.memory_space<semaphore_mem>>, %arg16: memref<!tpu.dma_semaphore, #tpu.memory_space<semaphore_mem>>) attributes {dimension_semantics = [#tpu.dimension_semantics<core_parallel>, #tpu.dimension_semantics<subcore_parallel>], iteration_bounds = array<i64: 2, 16>, scalar_prefetch = 0 : i64, scratch_operands = 11 : i64, tpu.core_type = #tpu.core_type<sc_vector_subcore>, window_params = [{transform_indices = #map}, {transform_indices = #map}, {transform_indices = #map}, {transform_indices = #map1}]} {
    %mul3A = arith.constant 16 : i32
    %mul3A_0 = arith.muli %arg0, %mul3A : i32
    %add3A = arith.addi %mul3A_0, %arg1 : i32
    %mul3A_1 = arith.constant 80 : i32
    %mul3A_2 = arith.muli %add3A, %mul3A_1 : i32
    %scan3A = arith.constant 0 : i32
    %scan3A_3 = arith.constant 0 : i32
    %scan3A_4 = arith.constant 128 : i32
    %scan3A_5 = arith.addi %scan3A_3, %scan3A_4 : i32
    %scan3A_6 = arith.constant 1 : i32
    scf.for %scan3A_76 = %scan3A_3 to %scan3A_5 step %scan3A_6  : i32 {
      %broadcast_in_dim3A = arith.constant 0.000000e+00 : f32
      %broadcast_in_dim3A_77 = vector.broadcast %broadcast_in_dim3A : f32 to vector<16xf32>
      %swap3A = arith.index_cast %scan3A_76 : i32 to index
      %swap3A_78 = arith.constant 0 : index
      %swap3A_79 = tpu.vector_load %arg7[%swap3A, %swap3A_78] {strides = array<i32>} : memref<128x128xf32, #tpu.memory_space<vmem>>, vector<1x16xf32>,
      %swap3A_80 = vector.shape_cast %swap3A_79 : vector<1x16xf32> to vector<16xf32>
      %swap3A_81 = vector.shape_cast %broadcast_in_dim3A_77 : vector<16xf32> to vector<1x16xf32>
      tpu.vector_store %arg7[%swap3A, %swap3A_78], %swap3A_81 {strides = array<i32>} : memref<128x128xf32, #tpu.memory_space<vmem>>, vector<1x16xf32>,
      %broadcast_in_dim3A_82 = arith.constant 0.000000e+00 : f32
      %broadcast_in_dim3A_83 = vector.broadcast %broadcast_in_dim3A_82 : f32 to vector<16xf32>
      %swap3A_84 = arith.index_cast %scan3A_76 : i32 to index
      %swap3A_85 = arith.constant 16 : index
      %swap3A_86 = tpu.vector_load %arg7[%swap3A_84, %swap3A_85] {strides = array<i32>} : memref<128x128xf32, #tpu.memory_space<vmem>>, vector<1x16xf32>,
      %swap3A_87 = vector.shape_cast %swap3A_86 : vector<1x16xf32> to vector<16xf32>
      %swap3A_88 = vector.shape_cast %broadcast_in_dim3A_83 : vector<16xf32> to vector<1x16xf32>
      tpu.vector_store %arg7[%swap3A_84, %swap3A_85], %swap3A_88 {strides = array<i32>} : memref<128x128xf32, #tpu.memory_space<vmem>>, vector<1x16xf32>,
      %broadcast_in_dim3A_89 = arith.constant 0.000000e+00 : f32
      %broadcast_in_dim3A_90 = vector.broadcast %broadcast_in_dim3A_89 : f32 to vector<16xf32>
      %swap3A_91 = arith.index_cast %scan3A_76 : i32 to index
      %swap3A_92 = arith.constant 32 : index
      %swap3A_93 = tpu.vector_load %arg7[%swap3A_91, %swap3A_92] {strides = array<i32>} : memref<128x128xf32, #tpu.memory_space<vmem>>, vector<1x16xf32>,
      %swap3A_94 = vector.shape_cast %swap3A_93 : vector<1x16xf32> to vector<16xf32>
      %swap3A_95 = vector.shape_cast %broadcast_in_dim3A_90 : vector<16xf32> to vector<1x16xf32>
      tpu.vector_store %arg7[%swap3A_91, %swap3A_92], %swap3A_95 {strides = array<i32>} : memref<128x128xf32, #tpu.memory_space<vmem>>, vector<1x16xf32>,
      %broadcast_in_dim3A_96 = arith.constant 0.000000e+00 : f32
      %broadcast_in_dim3A_97 = vector.broadcast %broadcast_in_dim3A_96 : f32 to vector<16xf32>
      %swap3A_98 = arith.index_cast %scan3A_76 : i32 to index
      %swap3A_99 = arith.constant 48 : index
      %swap3A_100 = tpu.vector_load %arg7[%swap3A_98, %swap3A_99] {strides = array<i32>} : memref<128x128xf32, #tpu.memory_space<vmem>>, vector<1x16xf32>,
      %swap3A_101 = vector.shape_cast %swap3A_100 : vector<1x16xf32> to vector<16xf32>
      %swap3A_102 = vector.shape_cast %broadcast_in_dim3A_97 : vector<16xf32> to vector<1x16xf32>
      tpu.vector_store %arg7[%swap3A_98, %swap3A_99], %swap3A_102 {strides = array<i32>} : memref<128x128xf32, #tpu.memory_space<vmem>>, vector<1x16xf32>,
      %broadcast_in_dim3A_103 = arith.constant 0.000000e+00 : f32
      %broadcast_in_dim3A_104 = vector.broadcast %broadcast_in_dim3A_103 : f32 to vector<16xf32>
      %swap3A_105 = arith.index_cast %scan3A_76 : i32 to index
      %swap3A_106 = arith.constant 64 : index
      %swap3A_107 = tpu.vector_load %arg7[%swap3A_105, %swap3A_106] {strides = array<i32>} : memref<128x128xf32, #tpu.memory_space<vmem>>, vector<1x16xf32>,
      %swap3A_108 = vector.shape_cast %swap3A_107 : vector<1x16xf32> to vector<16xf32>
      %swap3A_109 = vector.shape_cast %broadcast_in_dim3A_104 : vector<16xf32> to vector<1x16xf32>
      tpu.vector_store %arg7[%swap3A_105, %swap3A_106], %swap3A_109 {strides = array<i32>} : memref<128x128xf32, #tpu.memory_space<vmem>>, vector<1x16xf32>,
      %broadcast_in_dim3A_110 = arith.constant 0.000000e+00 : f32
      %broadcast_in_dim3A_111 = vector.broadcast %broadcast_in_dim3A_110 : f32 to vector<16xf32>
      %swap3A_112 = arith.index_cast %scan3A_76 : i32 to index
      %swap3A_113 = arith.constant 80 : index
      %swap3A_114 = tpu.vector_load %arg7[%swap3A_112, %swap3A_113] {strides = array<i32>} : memref<128x128xf32, #tpu.memory_space<vmem>>, vector<1x16xf32>,
      %swap3A_115 = vector.shape_cast %swap3A_114 : vector<1x16xf32> to vector<16xf32>
      %swap3A_116 = vector.shape_cast %broadcast_in_dim3A_111 : vector<16xf32> to vector<1x16xf32>
      tpu.vector_store %arg7[%swap3A_112, %swap3A_113], %swap3A_116 {strides = array<i32>} : memref<128x128xf32, #tpu.memory_space<vmem>>, vector<1x16xf32>,
      %broadcast_in_dim3A_117 = arith.constant 0.000000e+00 : f32
      %broadcast_in_dim3A_118 = vector.broadcast %broadcast_in_dim3A_117 : f32 to vector<16xf32>
      %swap3A_119 = arith.index_cast %scan3A_76 : i32 to index
      %swap3A_120 = arith.constant 96 : index
      %swap3A_121 = tpu.vector_load %arg7[%swap3A_119, %swap3A_120] {strides = array<i32>} : memref<128x128xf32, #tpu.memory_space<vmem>>, vector<1x16xf32>,
      %swap3A_122 = vector.shape_cast %swap3A_121 : vector<1x16xf32> to vector<16xf32>
      %swap3A_123 = vector.shape_cast %broadcast_in_dim3A_118 : vector<16xf32> to vector<1x16xf32>
      tpu.vector_store %arg7[%swap3A_119, %swap3A_120], %swap3A_123 {strides = array<i32>} : memref<128x128xf32, #tpu.memory_space<vmem>>, vector<1x16xf32>,
      %broadcast_in_dim3A_124 = arith.constant 0.000000e+00 : f32
      %broadcast_in_dim3A_125 = vector.broadcast %broadcast_in_dim3A_124 : f32 to vector<16xf32>
      %swap3A_126 = arith.index_cast %scan3A_76 : i32 to index
      %swap3A_127 = arith.constant 112 : index
      %swap3A_128 = tpu.vector_load %arg7[%swap3A_126, %swap3A_127] {strides = array<i32>} : memref<128x128xf32, #tpu.memory_space<vmem>>, vector<1x16xf32>,
      %swap3A_129 = vector.shape_cast %swap3A_128 : vector<1x16xf32> to vector<16xf32>
      %swap3A_130 = vector.shape_cast %broadcast_in_dim3A_125 : vector<16xf32> to vector<1x16xf32>
      tpu.vector_store %arg7[%swap3A_126, %swap3A_127], %swap3A_130 {strides = array<i32>} : memref<128x128xf32, #tpu.memory_space<vmem>>, vector<1x16xf32>,
    }
    %scan3A_7 = arith.constant 128 : i32
    %mul3A_8 = arith.constant 640 : i32
    %mul3A_9 = arith.muli %arg1, %mul3A_8 : i32
    %add3A_10 = arith.constant 0 : i32
    %add3A_11 = arith.addi %mul3A_9, %add3A_10 : i32
    "tpu.region"() ({
      %run_scoped3A = tpu.sem_alloc : memref<!tpu.dma_semaphore, #tpu.memory_space<semaphore_mem>>
      %dma_start3A_76 = arith.constant 0 : i32
      %dma_start3A_77 = tpu.memref_slice %arg6[%add3A_11, %dma_start3A_76] : memref<10240x128xf32, #tpu.memory_space<vmem_shared>> -> memref<128x128xf32, #tpu.memory_space<vmem_shared>>
      %dma_start3A_78 = arith.constant 0 : i32
      %dma_start3A_79 = tpu.memref_slice %arg6[%add3A_11, %dma_start3A_78] : memref<10240x128xf32, #tpu.memory_space<vmem_shared>> -> memref<128x128xf32, #tpu.memory_space<vmem_shared>>
      tpu.enqueue_dma source(%arg7 : memref<128x128xf32, #tpu.memory_space<vmem>>) target(%dma_start3A_79 : memref<128x128xf32, #tpu.memory_space<vmem_shared>>) target_semaphore(%run_scoped3A : memref<!tpu.dma_semaphore, #tpu.memory_space<semaphore_mem>>)
      %dma_wait3A_80 = arith.constant 0 : i32
      %dma_wait3A_81 = tpu.memref_slice %arg6[%add3A_11, %dma_wait3A_80] : memref<10240x128xf32, #tpu.memory_space<vmem_shared>> -> memref<128x128xf32, #tpu.memory_space<vmem_shared>>
      %dma_wait3A_82 = arith.constant 0 : i32
      %dma_wait3A_83 = tpu.memref_slice %arg6[%add3A_11, %dma_wait3A_82] : memref<10240x128xf32, #tpu.memory_space<vmem_shared>> -> memref<128x128xf32, #tpu.memory_space<vmem_shared>>
      tpu.wait_dma2 semaphore(%run_scoped3A : memref<!tpu.dma_semaphore, #tpu.memory_space<semaphore_mem>>) src(%arg7 : memref<128x128xf32, #tpu.memory_space<vmem>>) dst(%dma_wait3A_83 : memref<128x128xf32, #tpu.memory_space<vmem_shared>>)
      tpu.yield
    }) : () -> ()
    %add3A_12 = arith.constant 128 : i32
    %add3A_13 = arith.addi %mul3A_9, %add3A_12 : i32
    "tpu.region"() ({
      %run_scoped3A = tpu.sem_alloc : memref<!tpu.dma_semaphore, #tpu.memory_space<semaphore_mem>>
      %dma_start3A_76 = arith.constant 0 : i32
      %dma_start3A_77 = tpu.memref_slice %arg6[%add3A_13, %dma_start3A_76] : memref<10240x128xf32, #tpu.memory_space<vmem_shared>> -> memref<128x128xf32, #tpu.memory_space<vmem_shared>>
      %dma_start3A_78 = arith.constant 0 : i32
      %dma_start3A_79 = tpu.memref_slice %arg6[%add3A_13, %dma_start3A_78] : memref<10240x128xf32, #tpu.memory_space<vmem_shared>> -> memref<128x128xf32, #tpu.memory_space<vmem_shared>>
      tpu.enqueue_dma source(%arg7 : memref<128x128xf32, #tpu.memory_space<vmem>>) target(%dma_start3A_79 : memref<128x128xf32, #tpu.memory_space<vmem_shared>>) target_semaphore(%run_scoped3A : memref<!tpu.dma_semaphore, #tpu.memory_space<semaphore_mem>>)
      %dma_wait3A_80 = arith.constant 0 : i32
      %dma_wait3A_81 = tpu.memref_slice %arg6[%add3A_13, %dma_wait3A_80] : memref<10240x128xf32, #tpu.memory_space<vmem_shared>> -> memref<128x128xf32, #tpu.memory_space<vmem_shared>>
      %dma_wait3A_82 = arith.constant 0 : i32
      %dma_wait3A_83 = tpu.memref_slice %arg6[%add3A_13, %dma_wait3A_82] : memref<10240x128xf32, #tpu.memory_space<vmem_shared>> -> memref<128x128xf32, #tpu.memory_space<vmem_shared>>
      tpu.wait_dma2 semaphore(%run_scoped3A : memref<!tpu.dma_semaphore, #tpu.memory_space<semaphore_mem>>) src(%arg7 : memref<128x128xf32, #tpu.memory_space<vmem>>) dst(%dma_wait3A_83 : memref<128x128xf32, #tpu.memory_space<vmem_shared>>)
      tpu.yield
    }) : () -> ()
    %add3A_14 = arith.constant 256 : i32
    %add3A_15 = arith.addi %mul3A_9, %add3A_14 : i32
    "tpu.region"() ({
      %run_scoped3A = tpu.sem_alloc : memref<!tpu.dma_semaphore, #tpu.memory_space<semaphore_mem>>
      %dma_start3A_76 = arith.constant 0 : i32
      %dma_start3A_77 = tpu.memref_slice %arg6[%add3A_15, %dma_start3A_76] : memref<10240x128xf32, #tpu.memory_space<vmem_shared>> -> memref<128x128xf32, #tpu.memory_space<vmem_shared>>
      %dma_start3A_78 = arith.constant 0 : i32
      %dma_start3A_79 = tpu.memref_slice %arg6[%add3A_15, %dma_start3A_78] : memref<10240x128xf32, #tpu.memory_space<vmem_shared>> -> memref<128x128xf32, #tpu.memory_space<vmem_shared>>
      tpu.enqueue_dma source(%arg7 : memref<128x128xf32, #tpu.memory_space<vmem>>) target(%dma_start3A_79 : memref<128x128xf32, #tpu.memory_space<vmem_shared>>) target_semaphore(%run_scoped3A : memref<!tpu.dma_semaphore, #tpu.memory_space<semaphore_mem>>)
      %dma_wait3A_80 = arith.constant 0 : i32
      %dma_wait3A_81 = tpu.memref_slice %arg6[%add3A_15, %dma_wait3A_80] : memref<10240x128xf32, #tpu.memory_space<vmem_shared>> -> memref<128x128xf32, #tpu.memory_space<vmem_shared>>
      %dma_wait3A_82 = arith.constant 0 : i32
      %dma_wait3A_83 = tpu.memref_slice %arg6[%add3A_15, %dma_wait3A_82] : memref<10240x128xf32, #tpu.memory_space<vmem_shared>> -> memref<128x128xf32, #tpu.memory_space<vmem_shared>>
      tpu.wait_dma2 semaphore(%run_scoped3A : memref<!tpu.dma_semaphore, #tpu.memory_space<semaphore_mem>>) src(%arg7 : memref<128x128xf32, #tpu.memory_space<vmem>>) dst(%dma_wait3A_83 : memref<128x128xf32, #tpu.memory_space<vmem_shared>>)
      tpu.yield
    }) : () -> ()
    %add3A_16 = arith.constant 384 : i32
    %add3A_17 = arith.addi %mul3A_9, %add3A_16 : i32
    "tpu.region"() ({
      %run_scoped3A = tpu.sem_alloc : memref<!tpu.dma_semaphore, #tpu.memory_space<semaphore_mem>>
      %dma_start3A_76 = arith.constant 0 : i32
      %dma_start3A_77 = tpu.memref_slice %arg6[%add3A_17, %dma_start3A_76] : memref<10240x128xf32, #tpu.memory_space<vmem_shared>> -> memref<128x128xf32, #tpu.memory_space<vmem_shared>>
      %dma_start3A_78 = arith.constant 0 : i32
      %dma_start3A_79 = tpu.memref_slice %arg6[%add3A_17, %dma_start3A_78] : memref<10240x128xf32, #tpu.memory_space<vmem_shared>> -> memref<128x128xf32, #tpu.memory_space<vmem_shared>>
      tpu.enqueue_dma source(%arg7 : memref<128x128xf32, #tpu.memory_space<vmem>>) target(%dma_start3A_79 : memref<128x128xf32, #tpu.memory_space<vmem_shared>>) target_semaphore(%run_scoped3A : memref<!tpu.dma_semaphore, #tpu.memory_space<semaphore_mem>>)
      %dma_wait3A_80 = arith.constant 0 : i32
      %dma_wait3A_81 = tpu.memref_slice %arg6[%add3A_17, %dma_wait3A_80] : memref<10240x128xf32, #tpu.memory_space<vmem_shared>> -> memref<128x128xf32, #tpu.memory_space<vmem_shared>>
      %dma_wait3A_82 = arith.constant 0 : i32
      %dma_wait3A_83 = tpu.memref_slice %arg6[%add3A_17, %dma_wait3A_82] : memref<10240x128xf32, #tpu.memory_space<vmem_shared>> -> memref<128x128xf32, #tpu.memory_space<vmem_shared>>
      tpu.wait_dma2 semaphore(%run_scoped3A : memref<!tpu.dma_semaphore, #tpu.memory_space<semaphore_mem>>) src(%arg7 : memref<128x128xf32, #tpu.memory_space<vmem>>) dst(%dma_wait3A_83 : memref<128x128xf32, #tpu.memory_space<vmem_shared>>)
      tpu.yield
    }) : () -> ()
    %add3A_18 = arith.constant 512 : i32
    %add3A_19 = arith.addi %mul3A_9, %add3A_18 : i32
    "tpu.region"() ({
      %run_scoped3A = tpu.sem_alloc : memref<!tpu.dma_semaphore, #tpu.memory_space<semaphore_mem>>
      %dma_start3A_76 = arith.constant 0 : i32
      %dma_start3A_77 = tpu.memref_slice %arg6[%add3A_19, %dma_start3A_76] : memref<10240x128xf32, #tpu.memory_space<vmem_shared>> -> memref<128x128xf32, #tpu.memory_space<vmem_shared>>
      %dma_start3A_78 = arith.constant 0 : i32
      %dma_start3A_79 = tpu.memref_slice %arg6[%add3A_19, %dma_start3A_78] : memref<10240x128xf32, #tpu.memory_space<vmem_shared>> -> memref<128x128xf32, #tpu.memory_space<vmem_shared>>
      tpu.enqueue_dma source(%arg7 : memref<128x128xf32, #tpu.memory_space<vmem>>) target(%dma_start3A_79 : memref<128x128xf32, #tpu.memory_space<vmem_shared>>) target_semaphore(%run_scoped3A : memref<!tpu.dma_semaphore, #tpu.memory_space<semaphore_mem>>)
      %dma_wait3A_80 = arith.constant 0 : i32
      %dma_wait3A_81 = tpu.memref_slice %arg6[%add3A_19, %dma_wait3A_80] : memref<10240x128xf32, #tpu.memory_space<vmem_shared>> -> memref<128x128xf32, #tpu.memory_space<vmem_shared>>
      %dma_wait3A_82 = arith.constant 0 : i32
      %dma_wait3A_83 = tpu.memref_slice %arg6[%add3A_19, %dma_wait3A_82] : memref<10240x128xf32, #tpu.memory_space<vmem_shared>> -> memref<128x128xf32, #tpu.memory_space<vmem_shared>>
      tpu.wait_dma2 semaphore(%run_scoped3A : memref<!tpu.dma_semaphore, #tpu.memory_space<semaphore_mem>>) src(%arg7 : memref<128x128xf32, #tpu.memory_space<vmem>>) dst(%dma_wait3A_83 : memref<128x128xf32, #tpu.memory_space<vmem_shared>>)
      tpu.yield
    }) : () -> ()
    %barrier3A = arith.constant 0 : index
    tpu.barrier barrier_id(%barrier3A)
    %add3A_20 = arith.constant 0 : i32
    %add3A_21 = arith.addi %mul3A_2, %add3A_20 : i32
    %dma_start3A = arith.constant 0 : i32
    %dma_start3A_22 = tpu.memref_slice %arg3[%add3A_21, %dma_start3A] : memref<2560x128xi32, #tpu.memory_space<hbm>> -> memref<1x128xi32, #tpu.memory_space<hbm>>
    %dma_start3A_23 = tpu.memref_squeeze %dma_start3A_22 : memref<1x128xi32, #tpu.memory_space<hbm>> -> memref<128xi32, #tpu.memory_space<hbm>>
    %dma_start3A_24 = arith.constant 0 : i32
    %dma_start3A_25 = tpu.memref_slice %arg3[%add3A_21, %dma_start3A_24] : memref<2560x128xi32, #tpu.memory_space<hbm>> -> memref<1x128xi32, #tpu.memory_space<hbm>>
    %dma_start3A_26 = tpu.memref_squeeze %dma_start3A_25 : memref<1x128xi32, #tpu.memory_space<hbm>> -> memref<128xi32, #tpu.memory_space<hbm>>
    tpu.enqueue_dma source(%dma_start3A_26 : memref<128xi32, #tpu.memory_space<hbm>>) target(%arg9 : memref<128xi32, #tpu.memory_space<vmem>>) target_semaphore(%arg13 : memref<!tpu.dma_semaphore, #tpu.memory_space<semaphore_mem>>)
    %add3A_27 = arith.constant 0 : i32
    %add3A_28 = arith.addi %mul3A_2, %add3A_27 : i32
    %dma_start3A_29 = arith.constant 0 : i32
    %dma_start3A_30 = tpu.memref_slice %arg4[%add3A_28, %dma_start3A_29] : memref<2560x128xi32, #tpu.memory_space<hbm>> -> memref<1x128xi32, #tpu.memory_space<hbm>>
    %dma_start3A_31 = tpu.memref_squeeze %dma_start3A_30 : memref<1x128xi32, #tpu.memory_space<hbm>> -> memref<128xi32, #tpu.memory_space<hbm>>
    %dma_start3A_32 = arith.constant 0 : i32
    %dma_start3A_33 = tpu.memref_slice %arg4[%add3A_28, %dma_start3A_32] : memref<2560x128xi32, #tpu.memory_space<hbm>> -> memref<1x128xi32, #tpu.memory_space<hbm>>
    %dma_start3A_34 = tpu.memref_squeeze %dma_start3A_33 : memref<1x128xi32, #tpu.memory_space<hbm>> -> memref<128xi32, #tpu.memory_space<hbm>>
    tpu.enqueue_dma source(%dma_start3A_34 : memref<128xi32, #tpu.memory_space<hbm>>) target(%arg11 : memref<128xi32, #tpu.memory_space<vmem>>) target_semaphore(%arg13 : memref<!tpu.dma_semaphore, #tpu.memory_space<semaphore_mem>>)
    %add3A_35 = arith.constant 1 : i32
    %add3A_36 = arith.addi %mul3A_2, %add3A_35 : i32
    %dma_start3A_37 = arith.constant 0 : i32
    %dma_start3A_38 = tpu.memref_slice %arg3[%add3A_36, %dma_start3A_37] : memref<2560x128xi32, #tpu.memory_space<hbm>> -> memref<1x128xi32, #tpu.memory_space<hbm>>
    %dma_start3A_39 = tpu.memref_squeeze %dma_start3A_38 : memref<1x128xi32, #tpu.memory_space<hbm>> -> memref<128xi32, #tpu.memory_space<hbm>>
    %dma_start3A_40 = arith.constant 0 : i32
    %dma_start3A_41 = tpu.memref_slice %arg3[%add3A_36, %dma_start3A_40] : memref<2560x128xi32, #tpu.memory_space<hbm>> -> memref<1x128xi32, #tpu.memory_space<hbm>>
    %dma_start3A_42 = tpu.memref_squeeze %dma_start3A_41 : memref<1x128xi32, #tpu.memory_space<hbm>> -> memref<128xi32, #tpu.memory_space<hbm>>
    tpu.enqueue_dma source(%dma_start3A_42 : memref<128xi32, #tpu.memory_space<hbm>>) target(%arg10 : memref<128xi32, #tpu.memory_space<vmem>>) target_semaphore(%arg14 : memref<!tpu.dma_semaphore, #tpu.memory_space<semaphore_mem>>)
    %add3A_43 = arith.constant 1 : i32
    %add3A_44 = arith.addi %mul3A_2, %add3A_43 : i32
    %dma_start3A_45 = arith.constant 0 : i32
    %dma_start3A_46 = tpu.memref_slice %arg4[%add3A_44, %dma_start3A_45] : memref<2560x128xi32, #tpu.memory_space<hbm>> -> memref<1x128xi32, #tpu.memory_space<hbm>>
    %dma_start3A_47 = tpu.memref_squeeze %dma_start3A_46 : memref<1x128xi32, #tpu.memory_space<hbm>> -> memref<128xi32, #tpu.memory_space<hbm>>
    %dma_start3A_48 = arith.constant 0 : i32
    %dma_start3A_49 = tpu.memref_slice %arg4[%add3A_44, %dma_start3A_48] : memref<2560x128xi32, #tpu.memory_space<hbm>> -> memref<1x128xi32, #tpu.memory_space<hbm>>
    %dma_start3A_50 = tpu.memref_squeeze %dma_start3A_49 : memref<1x128xi32, #tpu.memory_space<hbm>> -> memref<128xi32, #tpu.memory_space<hbm>>
    tpu.enqueue_dma source(%dma_start3A_50 : memref<128xi32, #tpu.memory_space<hbm>>) target(%arg12 : memref<128xi32, #tpu.memory_space<vmem>>) target_semaphore(%arg14 : memref<!tpu.dma_semaphore, #tpu.memory_space<semaphore_mem>>)
    %add3A_51 = arith.constant 0 : i32
    %add3A_52 = arith.addi %mul3A_2, %add3A_51 : i32
    %dma_wait3A = arith.constant 0 : i32
    %dma_wait3A_53 = tpu.memref_slice %arg3[%add3A_52, %dma_wait3A] : memref<2560x128xi32, #tpu.memory_space<hbm>> -> memref<1x128xi32, #tpu.memory_space<hbm>>
    %dma_wait3A_54 = tpu.memref_squeeze %dma_wait3A_53 : memref<1x128xi32, #tpu.memory_space<hbm>> -> memref<128xi32, #tpu.memory_space<hbm>>
    %dma_wait3A_55 = arith.constant 0 : i32
    %dma_wait3A_56 = tpu.memref_slice %arg3[%add3A_52, %dma_wait3A_55] : memref<2560x128xi32, #tpu.memory_space<hbm>> -> memref<1x128xi32, #tpu.memory_space<hbm>>
    %dma_wait3A_57 = tpu.memref_squeeze %dma_wait3A_56 : memref<1x128xi32, #tpu.memory_space<hbm>> -> memref<128xi32, #tpu.memory_space<hbm>>
    tpu.wait_dma2 semaphore(%arg13 : memref<!tpu.dma_semaphore, #tpu.memory_space<semaphore_mem>>) src(%dma_wait3A_57 : memref<128xi32, #tpu.memory_space<hbm>>) dst(%arg9 : memref<128xi32, #tpu.memory_space<vmem>>)
    %add3A_58 = arith.constant 0 : i32
    %add3A_59 = arith.addi %mul3A_2, %add3A_58 : i32
    %dma_wait3A_60 = arith.constant 0 : i32
    %dma_wait3A_61 = tpu.memref_slice %arg4[%add3A_59, %dma_wait3A_60] : memref<2560x128xi32, #tpu.memory_space<hbm>> -> memref<1x128xi32, #tpu.memory_space<hbm>>
    %dma_wait3A_62 = tpu.memref_squeeze %dma_wait3A_61 : memref<1x128xi32, #tpu.memory_space<hbm>> -> memref<128xi32, #tpu.memory_space<hbm>>
    %dma_wait3A_63 = arith.constant 0 : i32
    %dma_wait3A_64 = tpu.memref_slice %arg4[%add3A_59, %dma_wait3A_63] : memref<2560x128xi32, #tpu.memory_space<hbm>> -> memref<1x128xi32, #tpu.memory_space<hbm>>
    %dma_wait3A_65 = tpu.memref_squeeze %dma_wait3A_64 : memref<1x128xi32, #tpu.memory_space<hbm>> -> memref<128xi32, #tpu.memory_space<hbm>>
    tpu.wait_dma2 semaphore(%arg13 : memref<!tpu.dma_semaphore, #tpu.memory_space<semaphore_mem>>) src(%dma_wait3A_65 : memref<128xi32, #tpu.memory_space<hbm>>) dst(%arg11 : memref<128xi32, #tpu.memory_space<vmem>>)
    %dma_start3A_66 = arith.constant 0 : i32
    %dma_start3A_67 = arith.constant 0 : i32
    %dma_start3A_68 = tpu.memref_slice %arg2[%dma_start3A_66, %dma_start3A_67] : memref<10000x128xf32, #tpu.memory_space<hbm>> -> memref<10000x128xf32, #tpu.memory_space<hbm>>
    tpu.enqueue_indirect_dma source(%dma_start3A_68 : memref<10000x128xf32, #tpu.memory_space<hbm>>) target(%arg7 : memref<128x128xf32, #tpu.memory_space<vmem>>) offsets(%arg11 : memref<128xi32, #tpu.memory_space<vmem>>) semaphore(%arg15 : memref<!tpu.dma_semaphore, #tpu.memory_space<semaphore_mem>>)
    %scan3A_69 = arith.constant 0 : i32
    %scan3A_70 = arith.constant 0 : i32
    %scan3A_71 = arith.constant 40 : i32
    %scan3A_72 = arith.addi %scan3A_70, %scan3A_71 : i32
    %scan3A_73 = arith.constant 1 : i32
    scf.for %scan3A_76 = %scan3A_70 to %scan3A_72 step %scan3A_73  : i32 {
      %mul3A_77 = arith.constant 2 : i32
      %mul3A_78 = arith.muli %scan3A_76, %mul3A_77 : i32
      %add3A_79 = arith.constant 0 : i32
      %add3A_80 = arith.addi %mul3A_78, %add3A_79 : i32
      %add3A_81 = arith.constant 1 : i32
      %add3A_82 = arith.addi %add3A_80, %add3A_81 : i32
      %lt3A = arith.constant 80 : i32
      %lt3A_83 = arith.cmpi slt, %add3A_82, %lt3A : i32
      %convert_element_type3A = arith.extui %lt3A_83 : i1 to i32
      %cond3A = arith.constant 0 : i32
      %cond3A_84 = arith.cmpi ne, %convert_element_type3A, %cond3A : i32
      scf.if %cond3A_84 {
        %add3A_116 = arith.constant 1 : i32
        %add3A_117 = arith.addi %add3A_80, %add3A_116 : i32
        %add3A_118 = arith.addi %mul3A_2, %add3A_117 : i32
        %dma_wait3A_119 = arith.constant 0 : i32
        %dma_wait3A_120 = tpu.memref_slice %arg3[%add3A_118, %dma_wait3A_119] : memref<2560x128xi32, #tpu.memory_space<hbm>> -> memref<1x128xi32, #tpu.memory_space<hbm>>
        %dma_wait3A_121 = tpu.memref_squeeze %dma_wait3A_120 : memref<1x128xi32, #tpu.memory_space<hbm>> -> memref<128xi32, #tpu.memory_space<hbm>>
        %dma_wait3A_122 = arith.constant 0 : i32
        %dma_wait3A_123 = tpu.memref_slice %arg3[%add3A_118, %dma_wait3A_122] : memref<2560x128xi32, #tpu.memory_space<hbm>> -> memref<1x128xi32, #tpu.memory_space<hbm>>
        %dma_wait3A_124 = tpu.memref_squeeze %dma_wait3A_123 : memref<1x128xi32, #tpu.memory_space<hbm>> -> memref<128xi32, #tpu.memory_space<hbm>>
        tpu.wait_dma2 semaphore(%arg14 : memref<!tpu.dma_semaphore, #tpu.memory_space<semaphore_mem>>) src(%dma_wait3A_124 : memref<128xi32, #tpu.memory_space<hbm>>) dst(%arg10 : memref<128xi32, #tpu.memory_space<vmem>>)
        %add3A_125 = arith.addi %mul3A_2, %add3A_117 : i32
        %dma_wait3A_126 = arith.constant 0 : i32
        %dma_wait3A_127 = tpu.memref_slice %arg4[%add3A_125, %dma_wait3A_126] : memref<2560x128xi32, #tpu.memory_space<hbm>> -> memref<1x128xi32, #tpu.memory_space<hbm>>
        %dma_wait3A_128 = tpu.memref_squeeze %dma_wait3A_127 : memref<1x128xi32, #tpu.memory_space<hbm>> -> memref<128xi32, #tpu.memory_space<hbm>>
        %dma_wait3A_129 = arith.constant 0 : i32
        %dma_wait3A_130 = tpu.memref_slice %arg4[%add3A_125, %dma_wait3A_129] : memref<2560x128xi32, #tpu.memory_space<hbm>> -> memref<1x128xi32, #tpu.memory_space<hbm>>
        %dma_wait3A_131 = tpu.memref_squeeze %dma_wait3A_130 : memref<1x128xi32, #tpu.memory_space<hbm>> -> memref<128xi32, #tpu.memory_space<hbm>>
        tpu.wait_dma2 semaphore(%arg14 : memref<!tpu.dma_semaphore, #tpu.memory_space<semaphore_mem>>) src(%dma_wait3A_131 : memref<128xi32, #tpu.memory_space<hbm>>) dst(%arg12 : memref<128xi32, #tpu.memory_space<vmem>>)
        %dma_start3A_132 = arith.constant 0 : i32
        %dma_start3A_133 = arith.constant 0 : i32
        %dma_start3A_134 = tpu.memref_slice %arg2[%dma_start3A_132, %dma_start3A_133] : memref<10000x128xf32, #tpu.memory_space<hbm>> -> memref<10000x128xf32, #tpu.memory_space<hbm>>
        tpu.enqueue_indirect_dma source(%dma_start3A_134 : memref<10000x128xf32, #tpu.memory_space<hbm>>) target(%arg8 : memref<128x128xf32, #tpu.memory_space<vmem>>) offsets(%arg12 : memref<128xi32, #tpu.memory_space<vmem>>) semaphore(%arg16 : memref<!tpu.dma_semaphore, #tpu.memory_space<semaphore_mem>>)
      } else {
      }
      %dma_wait3A_85 = arith.constant 0 : i32
      %dma_wait3A_86 = arith.constant 0 : i32
      %dma_wait3A_87 = tpu.memref_slice %arg2[%dma_wait3A_85, %dma_wait3A_86] : memref<10000x128xf32, #tpu.memory_space<hbm>> -> memref<10000x128xf32, #tpu.memory_space<hbm>>
      tpu.wait_indirect_dma semaphore(%arg15 : memref<!tpu.dma_semaphore, #tpu.memory_space<semaphore_mem>>) src(%dma_wait3A_87 : memref<10000x128xf32, #tpu.memory_space<hbm>>) dst(%arg7 : memref<128x128xf32, #tpu.memory_space<vmem>>)
      "tpu.region"() ({
        %run_scoped3A = tpu.sem_alloc : memref<!tpu.dma_semaphore, #tpu.memory_space<semaphore_mem>>
        %dma_start3A_116 = arith.constant 0 : i32
        %dma_start3A_117 = arith.constant 0 : i32
        %dma_start3A_118 = tpu.memref_slice %arg6[%dma_start3A_116, %dma_start3A_117] : memref<10240x128xf32, #tpu.memory_space<vmem_shared>> -> memref<10240x128xf32, #tpu.memory_space<vmem_shared>>
        tpu.enqueue_indirect_dma source(%arg7 : memref<128x128xf32, #tpu.memory_space<vmem>>) target(%dma_start3A_118 : memref<10240x128xf32, #tpu.memory_space<vmem_shared>>) offsets(%arg9 : memref<128xi32, #tpu.memory_space<vmem>>) semaphore(%run_scoped3A : memref<!tpu.dma_semaphore, #tpu.memory_space<semaphore_mem>>) {add = true}
        %dma_wait3A_119 = arith.constant 0 : i32
        %dma_wait3A_120 = arith.constant 0 : i32
        %dma_wait3A_121 = tpu.memref_slice %arg6[%dma_wait3A_119, %dma_wait3A_120] : memref<10240x128xf32, #tpu.memory_space<vmem_shared>> -> memref<10240x128xf32, #tpu.memory_space<vmem_shared>>
        tpu.wait_indirect_dma semaphore(%run_scoped3A : memref<!tpu.dma_semaphore, #tpu.memory_space<semaphore_mem>>) src(%arg7 : memref<128x128xf32, #tpu.memory_space<vmem>>) dst(%dma_wait3A_121 : memref<10240x128xf32, #tpu.memory_space<vmem_shared>>)
        tpu.yield
      }) : () -> ()
      %add3A_88 = arith.constant 2 : i32
      %add3A_89 = arith.addi %add3A_80, %add3A_88 : i32
      %lt3A_90 = arith.constant 80 : i32
      %lt3A_91 = arith.cmpi slt, %add3A_89, %lt3A_90 : i32
      %convert_element_type3A_92 = arith.extui %lt3A_91 : i1 to i32
      %cond3A_93 = arith.constant 0 : i32
      %cond3A_94 = arith.cmpi ne, %convert_element_type3A_92, %cond3A_93 : i32
      scf.if %cond3A_94 {
        %add3A_116 = arith.constant 2 : i32
        %add3A_117 = arith.addi %add3A_80, %add3A_116 : i32
        %add3A_118 = arith.addi %mul3A_2, %add3A_117 : i32
        %dma_start3A_119 = arith.constant 0 : i32
        %dma_start3A_120 = tpu.memref_slice %arg3[%add3A_118, %dma_start3A_119] : memref<2560x128xi32, #tpu.memory_space<hbm>> -> memref<1x128xi32, #tpu.memory_space<hbm>>
        %dma_start3A_121 = tpu.memref_squeeze %dma_start3A_120 : memref<1x128xi32, #tpu.memory_space<hbm>> -> memref<128xi32, #tpu.memory_space<hbm>>
        %dma_start3A_122 = arith.constant 0 : i32
        %dma_start3A_123 = tpu.memref_slice %arg3[%add3A_118, %dma_start3A_122] : memref<2560x128xi32, #tpu.memory_space<hbm>> -> memref<1x128xi32, #tpu.memory_space<hbm>>
        %dma_start3A_124 = tpu.memref_squeeze %dma_start3A_123 : memref<1x128xi32, #tpu.memory_space<hbm>> -> memref<128xi32, #tpu.memory_space<hbm>>
        tpu.enqueue_dma source(%dma_start3A_124 : memref<128xi32, #tpu.memory_space<hbm>>) target(%arg9 : memref<128xi32, #tpu.memory_space<vmem>>) target_semaphore(%arg13 : memref<!tpu.dma_semaphore, #tpu.memory_space<semaphore_mem>>)
        %add3A_125 = arith.addi %mul3A_2, %add3A_117 : i32
        %dma_start3A_126 = arith.constant 0 : i32
        %dma_start3A_127 = tpu.memref_slice %arg4[%add3A_125, %dma_start3A_126] : memref<2560x128xi32, #tpu.memory_space<hbm>> -> memref<1x128xi32, #tpu.memory_space<hbm>>
        %dma_start3A_128 = tpu.memref_squeeze %dma_start3A_127 : memref<1x128xi32, #tpu.memory_space<hbm>> -> memref<128xi32, #tpu.memory_space<hbm>>
        %dma_start3A_129 = arith.constant 0 : i32
        %dma_start3A_130 = tpu.memref_slice %arg4[%add3A_125, %dma_start3A_129] : memref<2560x128xi32, #tpu.memory_space<hbm>> -> memref<1x128xi32, #tpu.memory_space<hbm>>
        %dma_start3A_131 = tpu.memref_squeeze %dma_start3A_130 : memref<1x128xi32, #tpu.memory_space<hbm>> -> memref<128xi32, #tpu.memory_space<hbm>>
        tpu.enqueue_dma source(%dma_start3A_131 : memref<128xi32, #tpu.memory_space<hbm>>) target(%arg11 : memref<128xi32, #tpu.memory_space<vmem>>) target_semaphore(%arg13 : memref<!tpu.dma_semaphore, #tpu.memory_space<semaphore_mem>>)
      } else {
      }
      %mul3A_95 = arith.constant 2 : i32
      %mul3A_96 = arith.muli %scan3A_76, %mul3A_95 : i32
      %add3A_97 = arith.constant 1 : i32
      %add3A_98 = arith.addi %mul3A_96, %add3A_97 : i32
      %add3A_99 = arith.constant 1 : i32
      %add3A_100 = arith.addi %add3A_98, %add3A_99 : i32
      %lt3A_101 = arith.constant 80 : i32
      %lt3A_102 = arith.cmpi slt, %add3A_100, %lt3A_101 : i32
      %convert_element_type3A_103 = arith.extui %lt3A_102 : i1 to i32
      %cond3A_104 = arith.constant 0 : i32
      %cond3A_105 = arith.cmpi ne, %convert_element_type3A_103, %cond3A_104 : i32
      scf.if %cond3A_105 {
        %add3A_116 = arith.constant 1 : i32
        %add3A_117 = arith.addi %add3A_98, %add3A_116 : i32
        %add3A_118 = arith.addi %mul3A_2, %add3A_117 : i32
        %dma_wait3A_119 = arith.constant 0 : i32
        %dma_wait3A_120 = tpu.memref_slice %arg3[%add3A_118, %dma_wait3A_119] : memref<2560x128xi32, #tpu.memory_space<hbm>> -> memref<1x128xi32, #tpu.memory_space<hbm>>
        %dma_wait3A_121 = tpu.memref_squeeze %dma_wait3A_120 : memref<1x128xi32, #tpu.memory_space<hbm>> -> memref<128xi32, #tpu.memory_space<hbm>>
        %dma_wait3A_122 = arith.constant 0 : i32
        %dma_wait3A_123 = tpu.memref_slice %arg3[%add3A_118, %dma_wait3A_122] : memref<2560x128xi32, #tpu.memory_space<hbm>> -> memref<1x128xi32, #tpu.memory_space<hbm>>
        %dma_wait3A_124 = tpu.memref_squeeze %dma_wait3A_123 : memref<1x128xi32, #tpu.memory_space<hbm>> -> memref<128xi32, #tpu.memory_space<hbm>>
        tpu.wait_dma2 semaphore(%arg13 : memref<!tpu.dma_semaphore, #tpu.memory_space<semaphore_mem>>) src(%dma_wait3A_124 : memref<128xi32, #tpu.memory_space<hbm>>) dst(%arg9 : memref<128xi32, #tpu.memory_space<vmem>>)
        %add3A_125 = arith.addi %mul3A_2, %add3A_117 : i32
        %dma_wait3A_126 = arith.constant 0 : i32
        %dma_wait3A_127 = tpu.memref_slice %arg4[%add3A_125, %dma_wait3A_126] : memref<2560x128xi32, #tpu.memory_space<hbm>> -> memref<1x128xi32, #tpu.memory_space<hbm>>
        %dma_wait3A_128 = tpu.memref_squeeze %dma_wait3A_127 : memref<1x128xi32, #tpu.memory_space<hbm>> -> memref<128xi32, #tpu.memory_space<hbm>>
        %dma_wait3A_129 = arith.constant 0 : i32
        %dma_wait3A_130 = tpu.memref_slice %arg4[%add3A_125, %dma_wait3A_129] : memref<2560x128xi32, #tpu.memory_space<hbm>> -> memref<1x128xi32, #tpu.memory_space<hbm>>
        %dma_wait3A_131 = tpu.memref_squeeze %dma_wait3A_130 : memref<1x128xi32, #tpu.memory_space<hbm>> -> memref<128xi32, #tpu.memory_space<hbm>>
        tpu.wait_dma2 semaphore(%arg13 : memref<!tpu.dma_semaphore, #tpu.memory_space<semaphore_mem>>) src(%dma_wait3A_131 : memref<128xi32, #tpu.memory_space<hbm>>) dst(%arg11 : memref<128xi32, #tpu.memory_space<vmem>>)
        %dma_start3A_132 = arith.constant 0 : i32
        %dma_start3A_133 = arith.constant 0 : i32
        %dma_start3A_134 = tpu.memref_slice %arg2[%dma_start3A_132, %dma_start3A_133] : memref<10000x128xf32, #tpu.memory_space<hbm>> -> memref<10000x128xf32, #tpu.memory_space<hbm>>
        tpu.enqueue_indirect_dma source(%dma_start3A_134 : memref<10000x128xf32, #tpu.memory_space<hbm>>) target(%arg7 : memref<128x128xf32, #tpu.memory_space<vmem>>) offsets(%arg11 : memref<128xi32, #tpu.memory_space<vmem>>) semaphore(%arg15 : memref<!tpu.dma_semaphore, #tpu.memory_space<semaphore_mem>>)
      } else {
      }
      %dma_wait3A_106 = arith.constant 0 : i32
      %dma_wait3A_107 = arith.constant 0 : i32
      %dma_wait3A_108 = tpu.memref_slice %arg2[%dma_wait3A_106, %dma_wait3A_107] : memref<10000x128xf32, #tpu.memory_space<hbm>> -> memref<10000x128xf32, #tpu.memory_space<hbm>>
      tpu.wait_indirect_dma semaphore(%arg16 : memref<!tpu.dma_semaphore, #tpu.memory_space<semaphore_mem>>) src(%dma_wait3A_108 : memref<10000x128xf32, #tpu.memory_space<hbm>>) dst(%arg8 : memref<128x128xf32, #tpu.memory_space<vmem>>)
      "tpu.region"() ({
        %run_scoped3A = tpu.sem_alloc : memref<!tpu.dma_semaphore, #tpu.memory_space<semaphore_mem>>
        %dma_start3A_116 = arith.constant 0 : i32
        %dma_start3A_117 = arith.constant 0 : i32
        %dma_start3A_118 = tpu.memref_slice %arg6[%dma_start3A_116, %dma_start3A_117] : memref<10240x128xf32, #tpu.memory_space<vmem_shared>> -> memref<10240x128xf32, #tpu.memory_space<vmem_shared>>
        tpu.enqueue_indirect_dma source(%arg8 : memref<128x128xf32, #tpu.memory_space<vmem>>) target(%dma_start3A_118 : memref<10240x128xf32, #tpu.memory_space<vmem_shared>>) offsets(%arg10 : memref<128xi32, #tpu.memory_space<vmem>>) semaphore(%run_scoped3A : memref<!tpu.dma_semaphore, #tpu.memory_space<semaphore_mem>>) {add = true}
        %dma_wait3A_119 = arith.constant 0 : i32
        %dma_wait3A_120 = arith.constant 0 : i32
        %dma_wait3A_121 = tpu.memref_slice %arg6[%dma_wait3A_119, %dma_wait3A_120] : memref<10240x128xf32, #tpu.memory_space<vmem_shared>> -> memref<10240x128xf32, #tpu.memory_space<vmem_shared>>
        tpu.wait_indirect_dma semaphore(%run_scoped3A : memref<!tpu.dma_semaphore, #tpu.memory_space<semaphore_mem>>) src(%arg8 : memref<128x128xf32, #tpu.memory_space<vmem>>) dst(%dma_wait3A_121 : memref<10240x128xf32, #tpu.memory_space<vmem_shared>>)
        tpu.yield
      }) : () -> ()
      %add3A_109 = arith.constant 2 : i32
      %add3A_110 = arith.addi %add3A_98, %add3A_109 : i32
      %lt3A_111 = arith.constant 80 : i32
      %lt3A_112 = arith.cmpi slt, %add3A_110, %lt3A_111 : i32
      %convert_element_type3A_113 = arith.extui %lt3A_112 : i1 to i32
      %cond3A_114 = arith.constant 0 : i32
      %cond3A_115 = arith.cmpi ne, %convert_element_type3A_113, %cond3A_114 : i32
      scf.if %cond3A_115 {
        %add3A_116 = arith.constant 2 : i32
        %add3A_117 = arith.addi %add3A_98, %add3A_116 : i32
        %add3A_118 = arith.addi %mul3A_2, %add3A_117 : i32
        %dma_start3A_119 = arith.constant 0 : i32
        %dma_start3A_120 = tpu.memref_slice %arg3[%add3A_118, %dma_start3A_119] : memref<2560x128xi32, #tpu.memory_space<hbm>> -> memref<1x128xi32, #tpu.memory_space<hbm>>
        %dma_start3A_121 = tpu.memref_squeeze %dma_start3A_120 : memref<1x128xi32, #tpu.memory_space<hbm>> -> memref<128xi32, #tpu.memory_space<hbm>>
        %dma_start3A_122 = arith.constant 0 : i32
        %dma_start3A_123 = tpu.memref_slice %arg3[%add3A_118, %dma_start3A_122] : memref<2560x128xi32, #tpu.memory_space<hbm>> -> memref<1x128xi32, #tpu.memory_space<hbm>>
        %dma_start3A_124 = tpu.memref_squeeze %dma_start3A_123 : memref<1x128xi32, #tpu.memory_space<hbm>> -> memref<128xi32, #tpu.memory_space<hbm>>
        tpu.enqueue_dma source(%dma_start3A_124 : memref<128xi32, #tpu.memory_space<hbm>>) target(%arg10 : memref<128xi32, #tpu.memory_space<vmem>>) target_semaphore(%arg14 : memref<!tpu.dma_semaphore, #tpu.memory_space<semaphore_mem>>)
        %add3A_125 = arith.addi %mul3A_2, %add3A_117 : i32
        %dma_start3A_126 = arith.constant 0 : i32
        %dma_start3A_127 = tpu.memref_slice %arg4[%add3A_125, %dma_start3A_126] : memref<2560x128xi32, #tpu.memory_space<hbm>> -> memref<1x128xi32, #tpu.memory_space<hbm>>
        %dma_start3A_128 = tpu.memref_squeeze %dma_start3A_127 : memref<1x128xi32, #tpu.memory_space<hbm>> -> memref<128xi32, #tpu.memory_space<hbm>>
        %dma_start3A_129 = arith.constant 0 : i32
        %dma_start3A_130 = tpu.memref_slice %arg4[%add3A_125, %dma_start3A_129] : memref<2560x128xi32, #tpu.memory_space<hbm>> -> memref<1x128xi32, #tpu.memory_space<hbm>>
        %dma_start3A_131 = tpu.memref_squeeze %dma_start3A_130 : memref<1x128xi32, #tpu.memory_space<hbm>> -> memref<128xi32, #tpu.memory_space<hbm>>
        tpu.enqueue_dma source(%dma_start3A_131 : memref<128xi32, #tpu.memory_space<hbm>>) target(%arg12 : memref<128xi32, #tpu.memory_space<vmem>>) target_semaphore(%arg14 : memref<!tpu.dma_semaphore, #tpu.memory_space<semaphore_mem>>)
      } else {
      }
    }
    %scan3A_74 = arith.constant 40 : i32
    %barrier3A_75 = arith.constant 0 : index
    tpu.barrier barrier_id(%barrier3A_75)
    "tpu.region"() ({
      %run_scoped3A = tpu.sem_alloc : memref<!tpu.dma_semaphore, #tpu.memory_space<semaphore_mem>>
      %dma_start3A_76 = arith.constant 0 : i32
      %dma_start3A_77 = tpu.memref_slice %arg5[%arg0, %mul3A_9, %dma_start3A_76] : memref<2x10240x128xf32, #tpu.memory_space<hbm>> -> memref<1x640x128xf32, #tpu.memory_space<hbm>>
      %dma_start3A_78 = tpu.memref_squeeze %dma_start3A_77 : memref<1x640x128xf32, #tpu.memory_space<hbm>> -> memref<640x128xf32, #tpu.memory_space<hbm>>
      %dma_start3A_79 = arith.constant 0 : i32
      %dma_start3A_80 = tpu.memref_slice %arg6[%mul3A_9, %dma_start3A_79] : memref<10240x128xf32, #tpu.memory_space<vmem_shared>> -> memref<640x128xf32, #tpu.memory_space<vmem_shared>>
      tpu.enqueue_dma source(%dma_start3A_80 : memref<640x128xf32, #tpu.memory_space<vmem_shared>>) target(%dma_start3A_78 : memref<640x128xf32, #tpu.memory_space<hbm>>) target_semaphore(%run_scoped3A : memref<!tpu.dma_semaphore, #tpu.memory_space<semaphore_mem>>)
      %dma_wait3A_81 = arith.constant 0 : i32
      %dma_wait3A_82 = tpu.memref_slice %arg5[%arg0, %mul3A_9, %dma_wait3A_81] : memref<2x10240x128xf32, #tpu.memory_space<hbm>> -> memref<1x640x128xf32, #tpu.memory_space<hbm>>
      %dma_wait3A_83 = tpu.memref_squeeze %dma_wait3A_82 : memref<1x640x128xf32, #tpu.memory_space<hbm>> -> memref<640x128xf32, #tpu.memory_space<hbm>>
      %dma_wait3A_84 = arith.constant 0 : i32
      %dma_wait3A_85 = tpu.memref_slice %arg6[%mul3A_9, %dma_wait3A_84] : memref<10240x128xf32, #tpu.memory_space<vmem_shared>> -> memref<640x128xf32, #tpu.memory_space<vmem_shared>>
      tpu.wait_dma2 semaphore(%run_scoped3A : memref<!tpu.dma_semaphore, #tpu.memory_space<semaphore_mem>>) src(%dma_wait3A_85 : memref<640x128xf32, #tpu.memory_space<vmem_shared>>) dst(%dma_wait3A_83 : memref<640x128xf32, #tpu.memory_space<hbm>>)
      tpu.yield
    }) : () -> ()
    return
  }
}

module attributes {stable_mosaic.version = 14 : i64} {
  func.func @_mm_body(%arg0: i32, %arg1: memref<2000x128xf32, #tpu.memory_space<vmem>>, %arg2: memref<128x128xf32, #tpu.memory_space<vmem>>, %arg3: memref<1x128xf32, #tpu.memory_space<vmem>>, %arg4: memref<2000x128xf32, #tpu.memory_space<vmem>>) attributes {dimension_semantics = [#tpu.dimension_semantics<arbitrary>], iteration_bounds = array<i64: 5>, scalar_prefetch = 0 : i64, scratch_operands = 0 : i64, tpu.core_type = #tpu.core_type<tc>, window_params = [{transform_indices = @transform_0, window_bounds = array<i64: 2000, 128>}, {pipeline_mode = #tpu.pipeline_mode<synchronous>, transform_indices = @transform_1, window_bounds = array<i64: 128, 128>}, {pipeline_mode = #tpu.pipeline_mode<synchronous>, transform_indices = @transform_2, window_bounds = array<i64: 1, 128>}, {transform_indices = @transform_3, window_bounds = array<i64: 2000, 128>}]} {
    %get3A = arith.constant 0 : index
    %get3A_0 = arith.constant 0 : index
    %get3A_1 = vector.load %arg1[%get3A, %get3A_0] : memref<2000x128xf32, #tpu.memory_space<vmem>>, vector<2000x128xf32>
    %get3A_2 = arith.constant 0 : index
    %get3A_3 = arith.constant 0 : index
    %get3A_4 = vector.load %arg2[%get3A_2, %get3A_3] : memref<128x128xf32, #tpu.memory_space<vmem>>, vector<128x128xf32>
    %dot_general3A = arith.constant dense<0.000000e+00> : vector<2000x128xf32>
    %dot_general3A_5 = tpu.matmul %get3A_1, %get3A_4, %dot_general3A {dimension_numbers = #tpu.dot_dimension_numbers<[1], [0], [0], [1], [0, 0, 1, 1], [], []>, transpose_lhs_hint = false} : vector<2000x128xf32>, vector<128x128xf32>, vector<2000x128xf32> -> vector<2000x128xf32>
    %get3A_6 = arith.constant 0 : index
    %get3A_7 = arith.constant 0 : index
    %get3A_8 = vector.load %arg3[%get3A_6, %get3A_7] : memref<1x128xf32, #tpu.memory_space<vmem>>, vector<1x128xf32>
    %add3A = vector.broadcast %get3A_8 : vector<1x128xf32> to vector<2000x128xf32>
    %add3A_9 = arith.addf %dot_general3A_5, %add3A : vector<2000x128xf32>
    %swap3A = arith.constant 0 : index
    %swap3A_10 = arith.constant 0 : index
    %swap3A_11 = vector.load %arg4[%swap3A, %swap3A_10] : memref<2000x128xf32, #tpu.memory_space<vmem>>, vector<2000x128xf32>
    tpu.vector_store %arg4[%swap3A, %swap3A_10], %add3A_9 {strides = array<i32>} : memref<2000x128xf32, #tpu.memory_space<vmem>>, vector<2000x128xf32>,
    return
  }
  func.func @transform_0(%arg0: i32) -> (i32, i32) {
    %c0_i32 = arith.constant 0 : i32
    %c0_i32_0 = arith.constant 0 : i32
    return %arg0, %c0_i32 : i32, i32
  }
  func.func @transform_1(%arg0: i32) -> (i32, i32) {
    %c0_i32 = arith.constant 0 : i32
    %c0_i32_0 = arith.constant 0 : i32
    %c0_i32_1 = arith.constant 0 : i32
    return %c0_i32, %c0_i32_0 : i32, i32
  }
  func.func @transform_2(%arg0: i32) -> (i32, i32) {
    %c0_i32 = arith.constant 0 : i32
    %c0_i32_0 = arith.constant 0 : i32
    %c0_i32_1 = arith.constant 0 : i32
    return %c0_i32, %c0_i32_0 : i32, i32
  }
  func.func @transform_3(%arg0: i32) -> (i32, i32) {
    %c0_i32 = arith.constant 0 : i32
    %c0_i32_0 = arith.constant 0 : i32
    return %arg0, %c0_i32 : i32, i32
  }
}

module attributes {stable_mosaic.version = 14 : i64} {
  func.func @_ps_body(%arg0: i32, %arg1: memref<2x2000x16xf32, #tpu.memory_space<vmem>>, %arg2: memref<2000x128xf32, #tpu.memory_space<vmem>>, %arg3: memref<2000x128xf32, #tpu.memory_space<vmem>>) attributes {dimension_semantics = [#tpu.dimension_semantics<arbitrary>], iteration_bounds = array<i64: 5>, scalar_prefetch = 0 : i64, scratch_operands = 0 : i64, tpu.core_type = #tpu.core_type<tc>, window_params = [{transform_indices = @transform_0, window_bounds = array<i64: 2, 2000, 16>}, {transform_indices = @transform_1, window_bounds = array<i64: 2000, 128>}, {transform_indices = @transform_2, window_bounds = array<i64: 2000, 128>}]} {
    %get3A = arith.constant 0 : index
    %get3A_0 = arith.constant 0 : index
    %get3A_1 = arith.constant 0 : index
    %get3A_2 = vector.load %arg1[%get3A, %get3A_0, %get3A_1] : memref<2x2000x16xf32, #tpu.memory_space<vmem>>, vector<1x2000x1xf32>
    %get3A_3 = vector.shape_cast %get3A_2 : vector<1x2000x1xf32> to vector<2000x1xf32>
    %get3A_4 = arith.constant 1 : index
    %get3A_5 = arith.constant 0 : index
    %get3A_6 = arith.constant 0 : index
    %get3A_7 = vector.load %arg1[%get3A_4, %get3A_5, %get3A_6] : memref<2x2000x16xf32, #tpu.memory_space<vmem>>, vector<1x2000x1xf32>
    %get3A_8 = vector.shape_cast %get3A_7 : vector<1x2000x1xf32> to vector<2000x1xf32>
    %add3A = arith.addf %get3A_3, %get3A_8 : vector<2000x1xf32>
    %add3A_9 = arith.constant 1.000000e+00 : f32
    %add3A_10 = vector.broadcast %add3A_9 : f32 to vector<2000x1xf32>
    %add3A_11 = arith.addf %add3A, %add3A_10 : vector<2000x1xf32>
    %add3A_12 = arith.constant 9.99999996E-13 : f32
    %add3A_13 = vector.broadcast %add3A_12 : f32 to vector<2000x1xf32>
    %add3A_14 = arith.addf %add3A_11, %add3A_13 : vector<2000x1xf32>
    %rsqrt3A = math.rsqrt %add3A_14 : vector<2000x1xf32>
    %get3A_15 = arith.constant 0 : index
    %get3A_16 = arith.constant 0 : index
    %get3A_17 = vector.load %arg2[%get3A_15, %get3A_16] : memref<2000x128xf32, #tpu.memory_space<vmem>>, vector<2000x128xf32>
    %mul3A = vector.broadcast %rsqrt3A : vector<2000x1xf32> to vector<2000x128xf32>
    %mul3A_18 = arith.mulf %get3A_17, %mul3A : vector<2000x128xf32>
    %swap3A = arith.constant 0 : index
    %swap3A_19 = arith.constant 0 : index
    %swap3A_20 = vector.load %arg3[%swap3A, %swap3A_19] : memref<2000x128xf32, #tpu.memory_space<vmem>>, vector<2000x128xf32>
    tpu.vector_store %arg3[%swap3A, %swap3A_19], %mul3A_18 {strides = array<i32>} : memref<2000x128xf32, #tpu.memory_space<vmem>>, vector<2000x128xf32>,
    return
  }
  func.func @transform_0(%arg0: i32) -> (i32, i32, i32) {
    %c0_i32 = arith.constant 0 : i32
    %c0_i32_0 = arith.constant 0 : i32
    %c0_i32_1 = arith.constant 0 : i32
    return %c0_i32, %arg0, %c0_i32_0 : i32, i32, i32
  }
  func.func @transform_1(%arg0: i32) -> (i32, i32) {
    %c0_i32 = arith.constant 0 : i32
    %c0_i32_0 = arith.constant 0 : i32
    return %arg0, %c0_i32 : i32, i32
  }
  func.func @transform_2(%arg0: i32) -> (i32, i32) {
    %c0_i32 = arith.constant 0 : i32
    %c0_i32_0 = arith.constant 0 : i32
    return %arg0, %c0_i32 : i32, i32
  }
}

module attributes {stable_mosaic.version = 14 : i64} {
  func.func @_comb_body(%arg0: i32, %arg1: memref<2x2000x16xf32, #tpu.memory_space<vmem>>, %arg2: memref<2x2000x128xf32, #tpu.memory_space<vmem>>, %arg3: memref<2000x128xf32, #tpu.memory_space<vmem>>, %arg4: memref<2000x128xf32, #tpu.memory_space<vmem>>) attributes {dimension_semantics = [#tpu.dimension_semantics<arbitrary>], iteration_bounds = array<i64: 5>, scalar_prefetch = 0 : i64, scratch_operands = 0 : i64, tpu.core_type = #tpu.core_type<tc>, window_params = [{transform_indices = @transform_0, window_bounds = array<i64: 2, 2000, 16>}, {transform_indices = @transform_1, window_bounds = array<i64: 2, 2000, 128>}, {transform_indices = @transform_2, window_bounds = array<i64: 2000, 128>}, {transform_indices = @transform_3, window_bounds = array<i64: 2000, 128>}]} {
    %get3A = arith.constant 0 : index
    %get3A_0 = arith.constant 0 : index
    %get3A_1 = arith.constant 0 : index
    %get3A_2 = vector.load %arg1[%get3A, %get3A_0, %get3A_1] : memref<2x2000x16xf32, #tpu.memory_space<vmem>>, vector<1x2000x1xf32>
    %get3A_3 = vector.shape_cast %get3A_2 : vector<1x2000x1xf32> to vector<2000x1xf32>
    %get3A_4 = arith.constant 1 : index
    %get3A_5 = arith.constant 0 : index
    %get3A_6 = arith.constant 0 : index
    %get3A_7 = vector.load %arg1[%get3A_4, %get3A_5, %get3A_6] : memref<2x2000x16xf32, #tpu.memory_space<vmem>>, vector<1x2000x1xf32>
    %get3A_8 = vector.shape_cast %get3A_7 : vector<1x2000x1xf32> to vector<2000x1xf32>
    %add3A = arith.addf %get3A_3, %get3A_8 : vector<2000x1xf32>
    %add3A_9 = arith.constant 1.000000e+00 : f32
    %add3A_10 = vector.broadcast %add3A_9 : f32 to vector<2000x1xf32>
    %add3A_11 = arith.addf %add3A, %add3A_10 : vector<2000x1xf32>
    %add3A_12 = arith.constant 9.99999996E-13 : f32
    %add3A_13 = vector.broadcast %add3A_12 : f32 to vector<2000x1xf32>
    %add3A_14 = arith.addf %add3A_11, %add3A_13 : vector<2000x1xf32>
    %rsqrt3A = math.rsqrt %add3A_14 : vector<2000x1xf32>
    %get3A_15 = arith.constant 0 : index
    %get3A_16 = arith.constant 0 : index
    %get3A_17 = arith.constant 0 : index
    %get3A_18 = vector.load %arg2[%get3A_15, %get3A_16, %get3A_17] : memref<2x2000x128xf32, #tpu.memory_space<vmem>>, vector<1x2000x128xf32>
    %get3A_19 = vector.shape_cast %get3A_18 : vector<1x2000x128xf32> to vector<2000x128xf32>
    %get3A_20 = arith.constant 1 : index
    %get3A_21 = arith.constant 0 : index
    %get3A_22 = arith.constant 0 : index
    %get3A_23 = vector.load %arg2[%get3A_20, %get3A_21, %get3A_22] : memref<2x2000x128xf32, #tpu.memory_space<vmem>>, vector<1x2000x128xf32>
    %get3A_24 = vector.shape_cast %get3A_23 : vector<1x2000x128xf32> to vector<2000x128xf32>
    %add3A_25 = arith.addf %get3A_19, %get3A_24 : vector<2000x128xf32>
    %get3A_26 = arith.constant 0 : index
    %get3A_27 = arith.constant 0 : index
    %get3A_28 = vector.load %arg3[%get3A_26, %get3A_27] : memref<2000x128xf32, #tpu.memory_space<vmem>>, vector<2000x128xf32>
    %add3A_29 = arith.addf %add3A_25, %get3A_28 : vector<2000x128xf32>
    %mul3A = vector.broadcast %rsqrt3A : vector<2000x1xf32> to vector<2000x128xf32>
    %mul3A_30 = arith.mulf %add3A_29, %mul3A : vector<2000x128xf32>
    %swap3A = arith.constant 0 : index
    %swap3A_31 = arith.constant 0 : index
    %swap3A_32 = vector.load %arg4[%swap3A, %swap3A_31] : memref<2000x128xf32, #tpu.memory_space<vmem>>, vector<2000x128xf32>
    tpu.vector_store %arg4[%swap3A, %swap3A_31], %mul3A_30 {strides = array<i32>} : memref<2000x128xf32, #tpu.memory_space<vmem>>, vector<2000x128xf32>,
    return
  }
  func.func @transform_0(%arg0: i32) -> (i32, i32, i32) {
    %c0_i32 = arith.constant 0 : i32
    %c0_i32_0 = arith.constant 0 : i32
    %c0_i32_1 = arith.constant 0 : i32
    return %c0_i32, %arg0, %c0_i32_0 : i32, i32, i32
  }
  func.func @transform_1(%arg0: i32) -> (i32, i32, i32) {
    %c0_i32 = arith.constant 0 : i32
    %c0_i32_0 = arith.constant 0 : i32
    %c0_i32_1 = arith.constant 0 : i32
    return %c0_i32, %arg0, %c0_i32_0 : i32, i32, i32
  }
  func.func @transform_2(%arg0: i32) -> (i32, i32) {
    %c0_i32 = arith.constant 0 : i32
    %c0_i32_0 = arith.constant 0 : i32
    return %arg0, %c0_i32 : i32, i32
  }
  func.func @transform_3(%arg0: i32) -> (i32, i32) {
    %c0_i32 = arith.constant 0 : i32
    %c0_i32_0 = arith.constant 0 : i32
    return %arg0, %c0_i32 : i32, i32
  }
}

</mosaic_0001>

<sc_bundles>
// kernel: kernel.10.cloned.1.call-start
scs
__scs_entry_jumppad:
0x0: {  	(pc) =	sbr.rel $0x88, $3  }
0x1: {  	(tag) =	ssettag $0x0;
	lr =	simm.s32 $0x1  }
0x2: {  	[smem:$0x3F9D] =	sst lr;
	_ =	strace $0xD0000000  }
0x3: {  	_ = 	snop  }
0x4: {  	_ = 	snop  }
0x5: {  	_ = 	snop  }
0x6: {  	_ = 	snop  }
0x7: {  	_ = 	snop  }
__scs_overlays_trampoline_lowered:
0x8: {  	[smem:$0x3FAC] =	sst s0  }
0x9: {  	[smem:$0x3FAD] =	sst s1  }
0xa: {  	[smem:$0x3FAE] =	sst s2  }
0xb: {  	[smem:$0x3FAF] =	sst s3  }
0xc: {  	[smem:$0x3FB0] =	sst s4  }
0xd: {  	[smem:$0x3FB1] =	sst s5  }
0xe: {  	[smem:$0x3FB2] =	sst s6  }
0xf: {  	[smem:$0x3FB3] =	sst s7  }
0x10: {  	[smem:$0x3FB4] =	sst s8  }
0x11: {  	[smem:$0x3FB5] =	sst s9;
	s0 =	simm.s32 @!p0 $0x0  }
0x12: {  	s1 =	sld [smem:$0x3F9B];
	s0 =	simm.s32 @p0 $0x1  }
0x13: {  	[smem:$0x3FB6] =	sst s0;
	s0 =	simm.s32 @!p1 $0x0  }
0x14: {  	s2 =	sld [smem:$0x3F9A];
	s0 =	simm.s32 @p1 $0x1  }
0x15: {  	[smem:$0x3FB7] =	sst s0;
	s0 =	simm.s32 @!p2 $0x0  }
0x16: {  	s3 =	sld [smem:$0x3FDB];
	s0 =	simm.s32 @p2 $0x1  }
0x17: {  	s4 =	simm.s32 $0x1BF5;
	[smem:$0x3FB9] =	sst s0  }
0x18: {  	s0 =	sld [smem:$0x3F9C];
	_ =	swait.ge [sflag:s4], $0x0  }
0x19: {  	s7 =	sld [smem:$0x3F9D]  }
0x1a: {  	s8 =	sadd.s32 $0xFFFFE003, lr  }
0x1b: {  	s9 =	sadd.s32 $0xFFFFFEF7, lr;
	s5 =	simm.s32 $0xFFFFFFFF;
	p2 =	slt.u32 s8, $0xFFFFF086  }
0x1c: {  	p1 =	slt.u32 s9, $0xF7A;
	s5 =	simm.s32 @!p2 $0x0  }
0x1d: {  	s5 =	simm.s32 @p1 $0x1;
	p0 =	seq.s32 s7, s2  }
0x1e: {  	s7 =	smul.u32 @!p0 $0xF7A, s2;
	p2 =	seq.s32 @!p0 s5, $0x0  }
0x1f: {  	s9 =	smul.u32 $0xF7A, s1;
	s8 =	simm.s32 @!p0 $0x1BF5;
	p2 =	por !p2, p0  }
0x20: {  	[sflag:s8] =	ssyncset.s32 @!p0 $0xFFFFF086;
	s6 =	sadd.s32 @!p0 s3, s7;
	s7 =	simm.s32 @!p0 $0x108  }
0x21: {  	s3 =	sadd.s32 s3, s9;
	s6 =	sadd.s32 @!p0 $0x88, s6;
	s7 =	simm.s32 @p2 $0x1082  }
0x22: {  	[simem:s7], [sflag:s8] =	dma.local @!p0 [hbm:s6], $0xF7A  }
0x23: {  	s9 =	sor.u32 $0xD0000000, s2;
	s6 =	simm.s32 $0x108;
	_ =	swait.ge @!p0 [sflag:s8], $0x0  }
0x24: {  	s3 =	sadd.s32 $0x88, s3;
	s6 =	simm.s32 @!p1 $0x1082;
	[sflag:s4] =	ssyncset.s32 $0xFFFFF086  }
0x25: {  	[simem:s6], [sflag:s4] =	dma.local [hbm:s3], $0xF7A  }
0x26: {  	[smem:$0x3F9D] =	sst s1;
	(tag) =	ssettag s2;
	_ =	strace s9  }
0x27: {  	s1 =	sld [smem:$0x3FAD]  }
0x28: {  	s2 =	sld [smem:$0x3FAE]  }
0x29: {  	s4 =	sld [smem:$0x3FB0]  }
0x2a: {  	p0 =	seq.s32 s5, $0x0;
	s5 =	sld [smem:$0x3FB1]  }
0x2b: {  	s6 =	sld [smem:$0x3FB2]  }
0x2c: {  	s7 =	sld [smem:$0x3FB3]  }
0x2d: {  	s3 =	simm.s32 $0x108;
	s8 =	sld [smem:$0x3FB4]  }
0x2e: {  	s3 =	simm.s32 @!p0 $0x1082;
	s9 =	sld [smem:$0x3FB5]  }
0x2f: {  	lr =	sadd.s32 s0, s3;
	s0 =	sld [smem:$0x3FAC]  }
0x30: {  	s3 =	sld [smem:$0x3FAF]  }
0x31: {  	[smem:$0x3FB8] =	sst s10  }
0x32: {  	s10 =	sld [smem:$0x3FB6];
	_ =	sdelay $0x3  }
0x33: {  	p0 =	seq.s32 s10, $0x1;
	s10 =	sld [smem:$0x3FB8];
	_ =	sdelay $0x3  }
0x34: {  	[smem:$0x3FB8] =	sst s10  }
0x35: {  	s10 =	sld [smem:$0x3FB7];
	_ =	sdelay $0x3  }
0x36: {  	p1 =	seq.s32 s10, $0x1;
	s10 =	sld [smem:$0x3FB8];
	_ =	sdelay $0x3  }
0x37: {  	[smem:$0x3FB8] =	sst s10  }
0x38: {  	s10 =	sld [smem:$0x3FB9]  }
0x39: {  	_ = 	snop;
	(pc) =	sbr.ind lr, $3  }
0x3a: {  	_ = 	snop  }
0x3b: {  	_ = 	snop  }
0x3c: {  	p2 =	seq.s32 s10, $0x1;
	s10 =	sld [smem:$0x3FB8]  }
0x3d: {  	_ =	shalt  }
0x3e: {  	_ =	shalt  }
0x3f: {  	_ =	shalt  }
0x40: {  	_ =	shalt  }
0x41: {  	_ =	shalt  }
0x42: {  	_ =	shalt  }
0x43: {  	_ =	shalt  }
0x44: {  	_ =	shalt  }
0x45: {  	_ =	shalt  }
0x46: {  	_ =	shalt  }
0x47: {  	_ =	shalt  }
0x48: {  	_ =	shalt  }
0x49: {  	_ =	shalt  }
0x4a: {  	_ =	shalt  }
0x4b: {  	_ =	shalt  }
0x4c: {  	_ =	shalt  }
0x4d: {  	_ =	shalt  }
0x4e: {  	_ =	shalt  }
0x4f: {  	_ =	shalt  }
0x50: {  	_ =	shalt  }
0x51: {  	_ =	shalt  }
0x52: {  	_ =	shalt  }
0x53: {  	_ =	shalt  }
0x54: {  	_ =	shalt  }
0x55: {  	_ =	shalt  }
0x56: {  	_ =	shalt  }
0x57: {  	_ =	shalt  }
0x58: {  	_ =	shalt  }
0x59: {  	_ =	shalt  }
0x5a: {  	_ =	shalt  }
0x5b: {  	_ =	shalt  }
0x5c: {  	_ =	shalt  }
0x5d: {  	_ =	shalt  }
0x5e: {  	_ =	shalt  }
0x5f: {  	_ =	shalt  }
0x60: {  	_ =	shalt  }
0x61: {  	_ =	shalt  }
0x62: {  	_ =	shalt  }
0x63: {  	_ =	shalt  }
0x64: {  	_ =	shalt  }
0x65: {  	_ =	shalt  }
0x66: {  	_ =	shalt  }
0x67: {  	_ =	shalt  }
0x68: {  	_ =	shalt  }
0x69: {  	_ =	shalt  }
0x6a: {  	_ =	shalt  }
0x6b: {  	_ =	shalt  }
0x6c: {  	_ =	shalt  }
0x6d: {  	_ =	shalt  }
0x6e: {  	_ =	shalt  }
0x6f: {  	_ =	shalt  }
0x70: {  	_ =	shalt  }
0x71: {  	_ =	shalt  }
0x72: {  	_ =	shalt  }
0x73: {  	_ =	shalt  }
0x74: {  	_ =	shalt  }
0x75: {  	_ =	shalt  }
0x76: {  	_ =	shalt  }
0x77: {  	_ =	shalt  }
0x78: {  	_ =	shalt  }
0x79: {  	_ =	shalt  }
0x7a: {  	_ =	shalt  }
0x7b: {  	_ =	shalt  }
0x7c: {  	_ =	shalt  }
0x7d: {  	_ =	shalt  }
0x7e: {  	_ =	shalt  }
0x7f: {  	_ =	shalt  }
0x80: {  	_ =	shalt  }
0x81: {  	_ =	shalt  }
0x82: {  	_ =	shalt  }
0x83: {  	_ =	shalt  }
0x84: {  	_ =	shalt  }
0x85: {  	_ =	shalt  }
0x86: {  	_ =	shalt  }
0x87: {  	_ =	shalt  }
.Lfunc_end0:
.L_simem_size_0:
called_computation.1_lowered:
.L_overlay_start_0:
0x88: {  	s2 =	sld [smem:$0x3FD9]  }
0x89: {  	s3 =	sld [smem:$0x3FFE];
	_ =	sdelay $0x1  }
0x8a: {  	s1 =	srdreg.scid  }
0x8b: {  	s0 =	sand.u32 $0x1, s1  }
0x8c: {  	s17 =	sshll.u32 s0, $0xA;
	s2 =	sadd.s32 s3, s2  }
0x8d: {  	s2 =	sadd.s32 s2, s17  }
0x8e: {  	[smem:$0x3FC4] =	sst s2  }
0x8f: {  	_ = 	snop  }
0x90: {  	s2 =	sld [smem:$0x3FD0];
	(tm) =	ssettm $0x1  }
0x91: {  	s18 =	sld [smem:$0x3FFB];
	_ =	sdelay $0x3  }
0x92: {  	_ =	strace s18  }
0x93: {  	s3 =	sld [smem:$0x3FFC];
	_ =	sdelay $0x3  }
0x94: {  	_ =	strace s3  }
0x95: {  	s3 =	sld [smem:$0x3FFD];
	_ =	sdelay $0x3  }
0x96: {  	_ =	strace s3  }
0x97: {  	_ =	strace $0x8FFFFFFF  }
0x98: {  	s19 =	sld [smem:$0x3FDB];
	_ =	sdelay $0x1  }
0x99: {  	s4 =	simm.s32 $_scs_section_size  }
0x9a: {  	s5 =	simm.s32 $_size__tile_overlayer_lowered;
	s6 =	simm.s32 $_tile_overlayer_lowered  }
0x9b: {  	s22 =	simm.s32 $0x1BFF;
	s21 =	sshll.u32 s6, $0x1;
	s3 =	sadd.s32 s4, s19  }
0x9c: {  	s7 =	simm.s32 $0x0;
	s20 =	sshll.u32 s5, $0x1;
	s5 =	sadd.s32 s21, s3  }
0x9d: {  	[timem:s7], [sflag:s22] =	dma.local [hbm:s5], s20  }
0x9e: {  	_ =	swait.ge [sflag:s22], s20  }
0x9f: {  	s4 =	ssub.s32 $0x0, s20;
	[sflag:s22] =	ssyncset.done $0x0  }
0xa0: {  	[sflag:s22] =	ssyncadd.s32 s4;
	_ =	sdelay $0x1  }
0xa1: {  	s23 =	simm.s32 $0x1B8B  }
0xa2: {  	_ =	swait.ge [sflag:s23], $0x1  }
0xa3: {  	[sflag:s23] =	ssyncset.done $0x0  }
0xa4: {  	s25 =	simm.s32 $0x1B8E;
	s24 =	sld [smem:$0x3FFE];
	[sflag:s23] =	ssyncadd.s32 $0xFFFFFFFF  }
0xa5: {  	s26 =	simm.s32 $execute0_lowered;
	[smem:$0x3FD2] =	sst s25  }
0xa6: {  	s5 =	sshll.u32 s26, $0x1;
	_ =	strace $0x80000049;
	[dreg:$0x1] =	wrdreg $0xFFFFFFFF  }
0xa7: {  	s28 =	simm.s32 $_size_execute0_lowered;
	s3 =	sadd.s32 s3, s5;
	[dreg:$0x0] =	wrdreg $0x0  }
0xa8: {  	s5 =	sshll.u32 s28, $0x1;
	[dreg:$0x2] =	wrdreg s3  }
0xa9: {  	[dreg:$0x3] =	wrdreg s5  }
0xaa: {  	[dreg:$0x4] =	wrdreg $0xC0  }
0xab: {  	_ =	task [dreg:s7], $0x5FFFF  }
0xac: {  	[dreg:$0x1] =	wrdreg $0xFFFFFFFF  }
0xad: {  	[dreg:$0x0] =	wrdreg $0x60  }
0xae: {  	[dreg:$0x2] =	wrdreg s2  }
0xaf: {  	[dreg:$0x3] =	wrdreg s24  }
0xb0: {  	[dreg:$0x4] =	wrdreg $0x0  }
0xb1: {  	[dreg:$0x5] =	wrdreg $0x9  }
0xb2: {  	_ =	task.clear_ibuf [dreg:s7], $0x6FFFF;
	_ =	strace $0x90000049  }
0xb3: {  	s29 =	simm.s32 $0x9;
	_ =	strace $0x8000004B  }
0xb4: {  	_ =	swait.ge [sflag:s29], $0x1  }
0xb5: {  	[sflag:s29] =	ssyncadd.s32 $0xFFFFFFFF  }
0xb6: {  	_ =	strace $0x9000004B  }
0xb7: {  	_ =	sfence  }
0xb8: {  	s30 =	sld [smem:$0x0];
	_ =	sdelay $0x2  }
0xb9: {  	s31 =	sshll.u32 s1, $0xD;
	s1 =	sshrl.u32 s1, $0x2  }
0xba: {  	s3 =	sand.u32 $0x4000, s31;
	s1 =	sadd.s32 s1, s30  }
0xbb: {  	s0 =	sor.u32 s3, s0;
	s1 =	sshll.u32 s1, $0x11  }
0xbc: {  	s0 =	sor.u32 s1, s0  }
0xbd: {  	s0 =	sadd.s32 $0x8F2B, s0  }
0xbe: {  	[sflag:s0] =	ssyncadd.remote.s32 $0x1  }
0xbf: {  	_ =	sfence.sel $0xFFFF  }
0xc0: {  	[dreg:$0x0] =	wrdreg $0xFFFFFFFF;
	(pc) =	sbr.abs _section_cstart, $3  }
0xc1: {  	[dreg:$0x1] =	wrdreg $0xFFFFFFFF  }
0xc2: {  	_ =	task.clear_ibuf [dreg:s7], $0x2FFFF;
	_ =	strace $0x9FFFFFFF  }
0xc3: {  	(tm) =	ssettm $0x7FFFFFFF  }
tec
execute0_lowered:
.L_overlay_start_1:
0x0: {  	(tag) =	ssettag $0x1  }
0x1: {  	s1 =	rddreg [dreg:$0x0]  }
0x2: {  	s0 =	srdreg.scid;
	s2 =	rddreg [dreg:$0x1]  }
0x3: {  	s12 =	stileid.u32;
	s3 =	rddreg [dreg:$0x2];
	s4 =	simm.s32 $0x0  }
0x4: {  	s18 =	simm.s32 $0x14000;
	s19 =	simm.s32 $0x5;
	s20 =	simm.s32 $0x1C000  }
0x5: {  	s28 =	simm.s32 $0x18000;
	s29 =	simm.s32 $0x3;
	s6 =	smul.u32 $0x14000, s12  }
0x6: {  	s30 =	simm.s32 $0x4;
	s31 =	simm.s32 $0x0;
	s8 =	smul.u32 $0x50000, s12  }
0x7: {  	s0 =	sand.u32 $0x1, s0;
	[smem:$0x7FF] =	sst s4;
	s17 =	smul.u32 $0x500, s12  }
0x8: {  	s5 =	smul.u32 $0x140000, s0;
	_ =	strace $0x8000004A;
	s9 =	ssub.s32 $0x2, s0  }
0x9: {  	s21 =	sshll.u32 s0, $0x4;
	s0 =	smul.u32 $0x5000, s0;
	s8 =	sshrl.u32 s8, $0x2  }
0xa: {  	s10 =	sshrl.u32 s9, $0x1;
	s11 =	sor.u32 s12, s21;
	s21 =	simm.s32 $0x1C100  }
0xb: {  	s5 =	sadd.s32 s6, s5;
	s6 =	sadd.s32 $0xB400, s2;
	s22 =	ssub.s32 s9, s10  }
0xc: {  	s13 =	smul.u32 $0x500, s11;
	s0 =	sadd.s32 s17, s0;
	s7 =	sshrl.u32 s5, $0x3  }
0xd: {  	s5 =	sadd.s32 $0x1400, s2;
	s17 =	smax.u32 s22, $0x1;
	[dreg:$0x4] =	wrdreg s0  }
0xe: {  	s22 =	simm.s32 $0x1C080;
	s2 =	sadd.s32 s7, s2;
	s7 =	sadd.s32 s8, s3  }
0xf: {  	s15 =	sor.u32 $0x10, s13;
	s12 =	sadd.s32 s5, s13;
	s23 =	sadd.s32 $0x4000, s7  }
0x10: {  	s13 =	sadd.s32 s6, s13;
	s24 =	sadd.s32 $0x8000, s7;
	[dreg:$0x5] =	wrdreg s23  }
0x11: {  	s25 =	sadd.s32 $0xC000, s7;
	s26 =	sadd.s32 $0x10000, s7;
	[dreg:$0x6] =	wrdreg s24  }
0x12: {  	s14 =	sadd.s32 s5, s15;
	s15 =	sadd.s32 s6, s15;
	[dreg:$0x7] =	wrdreg s25  }
0x13: {  	s16 =	sadd.s32 $0x15400, s2;
	[dreg:$0x8] =	wrdreg s26;
	s23 =	simm.s32 $0x1C180  }
0x14: {  	v0 =	vimm.f32 $0.0e+00;
	s24 =	simm.s32 $0x1;
	s25 =	simm.s32 $0x80;
	s26 =	simm.s32 $0x2  }
.LBB2_1:
0x15: {  	s0 =	simm.s32 $0x0;
	s2 =	simm.s32 $0x200  }
.LBB2_2:
0x16: {  	p0 =	sne.s32 s2, $0xFE00;
	[tilespmem:s0+$0x14070] =	vst v0  }
0x17: {  	[tilespmem:s0+$0x14000] =	vst v0  }
0x18: {  	[tilespmem:s0+$0x14010] =	vst v0  }
.Ltmp0:
0x19: {  	[tilespmem:s0+$0x14020] =	vst v0;
	(pc) =	sbr.rel @p0 .LBB2_2-.Ltmp0, $4  }
0x1a: {  	[tilespmem:s0+$0x14030] =	vst v0  }
0x1b: {  	[tilespmem:s0+$0x14040] =	vst v0  }
0x1c: {  	[tilespmem:s0+$0x14050] =	vst v0  }
0x1d: {  	[tilespmem:s0+$0x14060] =	vst v0;
	s0 =	sshra.s32 s2, $0x2;
	s2 =	sadd.s32 $0x200, s2  }
0x1e: {  	[tilespmem:s0+$0x14070] =	vst v0  }
0x1f: {  	[tilespmem:s0+$0x14000] =	vst v0  }
0x20: {  	[tilespmem:s0+$0x14010] =	vst v0  }
0x21: {  	[tilespmem:s0+$0x14020] =	vst v0  }
0x22: {  	[tilespmem:s0+$0x14030] =	vst v0  }
0x23: {  	[tilespmem:s0+$0x14040] =	vst v0  }
0x24: {  	[tilespmem:s0+$0x14050] =	vst v0  }
0x25: {  	[tilespmem:s0+$0x14060] =	vst v0  }
0x26: {  	[spmem:s7] =	stream.linear.scatter [tilespmem:s18], [sflag:$0x5], $0x4000, $0x38;
	[tilespmem:$0x1C200] =	vst v63  }
0x27: {  	_ =	swait.ge [sflag:s19], $0x4000  }
0x28: {  	[sflag:s19] =	ssyncset.done $0x0  }
0x29: {  	s11 =	rddreg [dreg:$0x5];
	[sflag:s19] =	ssyncadd.s32 $0xFFFFC000  }
0x2a: {  	[spmem:s11] =	stream.linear.scatter [tilespmem:s18], [sflag:$0x5], $0x4000, $0x38;
	[tilespmem:$0x1C200] =	vst v63  }
0x2b: {  	_ =	swait.ge [sflag:s19], $0x4000  }
0x2c: {  	[sflag:s19] =	ssyncset.done $0x0  }
0x2d: {  	s2 =	rddreg [dreg:$0x6];
	[sflag:s19] =	ssyncadd.s32 $0xFFFFC000  }
0x2e: {  	[spmem:s2] =	stream.linear.scatter [tilespmem:s18], [sflag:$0x5], $0x4000, $0x38;
	[tilespmem:$0x1C200] =	vst v63  }
0x2f: {  	_ =	swait.ge [sflag:s19], $0x4000  }
0x30: {  	[sflag:s19] =	ssyncset.done $0x0  }
0x31: {  	s8 =	rddreg [dreg:$0x7];
	[sflag:s19] =	ssyncadd.s32 $0xFFFFC000  }
0x32: {  	[spmem:s8] =	stream.linear.scatter [tilespmem:s18], [sflag:$0x5], $0x4000, $0x38;
	[tilespmem:$0x1C200] =	vst v63  }
0x33: {  	_ =	swait.ge [sflag:s19], $0x4000  }
0x34: {  	[sflag:s19] =	ssyncset.done $0x0  }
0x35: {  	s9 =	rddreg [dreg:$0x8];
	[sflag:s19] =	ssyncadd.s32 $0xFFFFC000  }
0x36: {  	[spmem:s9] =	stream.linear.scatter [tilespmem:s18], [sflag:$0x5], $0x4000, $0x38;
	[tilespmem:$0x1C200] =	vst v63  }
0x37: {  	_ =	swait.ge [sflag:s19], $0x4000  }
0x38: {  	[sflag:s19] =	ssyncset.done $0x0  }
0x39: {  	[sflag:s19] =	ssyncadd.s32 $0xFFFFC000  }
0x3a: {  	[bflag:$0x0] =	sbarrier.arrive $0xFFFF  }
0x3b: {  	[tilespmem:s20], [sflag:$0x1] =	stream.linear.gather [hbm4b:s12+s4], $0x80, $0x38;
	[tilespmem:$0x1C200] =	vst v63  }
0x3c: {  	_ = 	snop  }
0x3d: {  	[tilespmem:s21], [sflag:$0x1] =	stream.linear.gather [hbm4b:s13+s4], $0x80, $0x38;
	[tilespmem:$0x1C200] =	vst v63  }
0x3e: {  	_ = 	snop  }
0x3f: {  	[tilespmem:s22], [sflag:$0x2] =	stream.linear.gather [hbm4b:s14+s4], $0x80, $0x38;
	[tilespmem:$0x1C200] =	vst v63  }
0x40: {  	_ = 	snop  }
0x41: {  	[tilespmem:s23], [sflag:$0x2] =	stream.linear.gather [hbm4b:s15+s4], $0x80, $0x38;
	[tilespmem:$0x1C200] =	vst v63  }
0x42: {  	_ =	swait.ge [sflag:s24], $0x80  }
0x43: {  	[sflag:s24] =	ssyncset.done $0x0  }
0x44: {  	[sflag:s24] =	ssyncadd.s32 $0xFFFFFF80  }
0x45: {  	_ =	swait.ge [sflag:s24], $0x80  }
0x46: {  	[sflag:s24] =	ssyncset.done $0x0  }
0x47: {  	[sflag:s24] =	ssyncadd.s32 $0xFFFFFF80  }
0x48: {  	[tilespmem:s18], [sflag:$0x3] =	stream.indirect.gather [hbm4b:s1+s25], $0x80, s21, s25, $0xb8;
	[tilespmem:$0x1C200] =	vst v63  }
0x49: {  	_ =	swait.ge [sflag:s26], $0x80  }
0x4a: {  	[sflag:s26] =	ssyncset.done $0x0  }
0x4b: {  	[sflag:s26] =	ssyncadd.s32 $0xFFFFFF80  }
0x4c: {  	_ =	swait.ge [sflag:s26], $0x80  }
0x4d: {  	[sflag:s26] =	ssyncset.done $0x0  }
0x4e: {  	[sflag:s26] =	ssyncadd.s32 $0xFFFFFF80  }
0x4f: {  	[tilespmem:s28], [sflag:$0x4] =	stream.indirect.gather [hbm4b:s1+s25], $0x80, s23, s25, $0xb8;
	[tilespmem:$0x1C200] =	vst v63  }
0x50: {  	_ =	swait.ge [sflag:s29], $0x4000  }
0x51: {  	[sflag:s29] =	ssyncset.done $0x0  }
0x52: {  	[sflag:s29] =	ssyncadd.s32 $0xFFFFC000  }
0x53: {  	[spmem:s3] =	stream.indirect.scatter.add.f32 [tilespmem:s18], [sflag:$0x5], $0x80, s20, s25, $0xb8;
	[tilespmem:$0x1C200] =	vst v63  }
0x54: {  	_ =	swait.ge [sflag:s19], $0x4000  }
0x55: {  	s10 =	rddreg [dreg:$0x4]  }
0x56: {  	s0 =	sadd.s32 $0x30, s10  }
0x57: {  	s8 =	simm.s32 $0x20;
	s2 =	sadd.s32 $0xFFFFFFF0, s0  }
0x58: {  	s8 =	sand.u32 $0x60, s8;
	s2 =	sand.u32 $0xFFFFF80, s2  }
0x59: {  	[sflag:s19] =	ssyncset.done $0x0;
	s2 =	sor.u32 s8, s2  }
0x5a: {  	[sflag:s19] =	ssyncadd.s32 $0xFFFFC000;
	s8 =	sadd.s32 s5, s2  }
0x5b: {  	[tilespmem:s20], [sflag:$0x1] =	stream.linear.gather [hbm4b:s8+s4], $0x80, $0x38;
	[tilespmem:$0x1C200] =	vst v63  }
0x5c: {  	s2 =	sadd.s32 s6, s2  }
0x5d: {  	[tilespmem:s21], [sflag:$0x1] =	stream.linear.gather [hbm4b:s2+s4], $0x80, $0x38;
	[tilespmem:$0x1C200] =	vst v63  }
0x5e: {  	_ =	swait.ge [sflag:s24], $0x80  }
0x5f: {  	[sflag:s24] =	ssyncset.done $0x0  }
0x60: {  	[sflag:s24] =	ssyncadd.s32 $0xFFFFFF80  }
0x61: {  	_ =	swait.ge [sflag:s24], $0x80  }
0x62: {  	[sflag:s24] =	ssyncset.done $0x0  }
0x63: {  	[sflag:s24] =	ssyncadd.s32 $0xFFFFFF80  }
0x64: {  	[tilespmem:s18], [sflag:$0x3] =	stream.indirect.gather [hbm4b:s1+s25], $0x80, s21, s25, $0xb8;
	[tilespmem:$0x1C200] =	vst v63  }
0x65: {  	_ =	swait.ge [sflag:s30], $0x4000  }
0x66: {  	[sflag:s30] =	ssyncset.done $0x0  }
0x67: {  	s11 =	simm.s32 $0x30;
	[sflag:s30] =	ssyncadd.s32 $0xFFFFC000  }
0x68: {  	[spmem:s3] =	stream.indirect.scatter.add.f32 [tilespmem:s28], [sflag:$0x5], $0x80, s22, s25, $0xb8;
	[tilespmem:$0x1C200] =	vst v63  }
0x69: {  	s0 =	sand.u32 $0xFFFFF80, s0;
	s2 =	sand.u32 $0x70, s11;
	_ =	swait.ge [sflag:s19], $0x4000  }
0x6a: {  	s0 =	sor.u32 s2, s0;
	[sflag:s19] =	ssyncset.done $0x0  }
0x6b: {  	s2 =	sadd.s32 s5, s0;
	[sflag:s19] =	ssyncadd.s32 $0xFFFFC000  }
0x6c: {  	[tilespmem:s22], [sflag:$0x2] =	stream.linear.gather [hbm4b:s2+s4], $0x80, $0x38;
	[tilespmem:$0x1C200] =	vst v63  }
0x6d: {  	s0 =	sadd.s32 s6, s0  }
0x6e: {  	[tilespmem:s23], [sflag:$0x2] =	stream.linear.gather [hbm4b:s0+s4], $0x80, $0x38;
	[tilespmem:$0x1C200] =	vst v63  }
0x6f: {  	_ =	swait.ge [sflag:s26], $0x80  }
0x70: {  	[sflag:s26] =	ssyncset.done $0x0  }
0x71: {  	[sflag:s26] =	ssyncadd.s32 $0xFFFFFF80  }
0x72: {  	_ =	swait.ge [sflag:s26], $0x80  }
0x73: {  	[sflag:s26] =	ssyncset.done $0x0  }
0x74: {  	[sflag:s26] =	ssyncadd.s32 $0xFFFFFF80  }
0x75: {  	[tilespmem:s28], [sflag:$0x4] =	stream.indirect.gather [hbm4b:s1+s25], $0x80, s23, s25, $0xb8;
	[tilespmem:$0x1C200] =	vst v63  }
0x76: {  	_ =	swait.ge [sflag:s29], $0x4000  }
0x77: {  	[sflag:s29] =	ssyncset.done $0x0  }
0x78: {  	[sflag:s29] =	ssyncadd.s32 $0xFFFFC000  }
0x79: {  	[spmem:s3] =	stream.indirect.scatter.add.f32 [tilespmem:s18], [sflag:$0x5], $0x80, s20, s25, $0xb8;
	[tilespmem:$0x1C200] =	vst v63  }
0x7a: {  	s2 =	simm.s32 $0x50;
	_ =	swait.ge [sflag:s19], $0x4000  }
0x7b: {  	s0 =	simm.s32 $0x70;
	s8 =	rddreg [dreg:$0x4];
	[sflag:s19] =	ssyncset.done $0x0  }
.LBB2_4:
0x7c: {  	s8 =	sadd.s32 s2, s8  }
0x7d: {  	s10 =	sand.u32 $0x70, s2;
	s2 =	sadd.s32 $0xFFFFFFF0, s2;
	s11 =	sadd.s32 $0xFFFFFFF0, s8  }
0x7e: {  	s8 =	sand.u32 $0xFFFFF80, s8;
	s2 =	sand.u32 $0x60, s2;
	s11 =	sand.u32 $0xFFFFF80, s11  }
0x7f: {  	s8 =	sor.u32 s10, s8;
	s10 =	sor.u32 s2, s11  }
0x80: {  	[sflag:s19] =	ssyncadd.s32 $0xFFFFC000;
	s11 =	sadd.s32 s5, s10  }
0x81: {  	[tilespmem:s20], [sflag:$0x1] =	stream.linear.gather [hbm4b:s11+s4], $0x80, $0x38;
	[tilespmem:$0x1C200] =	vst v63  }
0x82: {  	s10 =	sadd.s32 s6, s10  }
0x83: {  	[tilespmem:s21], [sflag:$0x1] =	stream.linear.gather [hbm4b:s10+s4], $0x80, $0x38;
	[tilespmem:$0x1C200] =	vst v63  }
0x84: {  	_ =	swait.ge [sflag:s24], $0x80  }
0x85: {  	[sflag:s24] =	ssyncset.done $0x0  }
0x86: {  	[sflag:s24] =	ssyncadd.s32 $0xFFFFFF80  }
0x87: {  	_ =	swait.ge [sflag:s24], $0x80  }
0x88: {  	[sflag:s24] =	ssyncset.done $0x0  }
0x89: {  	[sflag:s24] =	ssyncadd.s32 $0xFFFFFF80  }
0x8a: {  	[tilespmem:s18], [sflag:$0x3] =	stream.indirect.gather [hbm4b:s1+s25], $0x80, s21, s25, $0xb8;
	[tilespmem:$0x1C200] =	vst v63  }
0x8b: {  	_ =	swait.ge [sflag:s30], $0x4000  }
0x8c: {  	[sflag:s30] =	ssyncset.done $0x0  }
0x8d: {  	[sflag:s30] =	ssyncadd.s32 $0xFFFFC000  }
0x8e: {  	[spmem:s3] =	stream.indirect.scatter.add.f32 [tilespmem:s28], [sflag:$0x5], $0x80, s22, s25, $0xb8;
	[tilespmem:$0x1C200] =	vst v63  }
0x8f: {  	_ =	swait.ge [sflag:s19], $0x4000  }
0x90: {  	[sflag:s19] =	ssyncset.done $0x0  }
0x91: {  	s11 =	sadd.s32 s5, s8;
	[sflag:s19] =	ssyncadd.s32 $0xFFFFC000  }
0x92: {  	[tilespmem:s22], [sflag:$0x2] =	stream.linear.gather [hbm4b:s11+s4], $0x80, $0x38;
	[tilespmem:$0x1C200] =	vst v63  }
0x93: {  	s8 =	sadd.s32 s6, s8  }
0x94: {  	[tilespmem:s23], [sflag:$0x2] =	stream.linear.gather [hbm4b:s8+s4], $0x80, $0x38;
	[tilespmem:$0x1C200] =	vst v63  }
0x95: {  	_ =	swait.ge [sflag:s26], $0x80  }
0x96: {  	[sflag:s26] =	ssyncset.done $0x0  }
0x97: {  	[sflag:s26] =	ssyncadd.s32 $0xFFFFFF80  }
0x98: {  	_ =	swait.ge [sflag:s26], $0x80  }
0x99: {  	[sflag:s26] =	ssyncset.done $0x0  }
0x9a: {  	[sflag:s26] =	ssyncadd.s32 $0xFFFFFF80  }
0x9b: {  	[tilespmem:s28], [sflag:$0x4] =	stream.indirect.gather [hbm4b:s1+s25], $0x80, s23, s25, $0xb8;
	[tilespmem:$0x1C200] =	vst v63  }
0x9c: {  	p0 =	sne.s32 s0, $0x4F0;
	_ =	swait.ge [sflag:s29], $0x4000  }
.Ltmp1:
0x9d: {  	[sflag:s29] =	ssyncset.done $0x0;
	(pc) =	sbr.rel @p0 .LBB2_4-.Ltmp1, $4  }
0x9e: {  	[sflag:s29] =	ssyncadd.s32 $0xFFFFC000  }
0x9f: {  	[spmem:s3] =	stream.indirect.scatter.add.f32 [tilespmem:s18], [sflag:$0x5], $0x80, s20, s25, $0xb8;
	[tilespmem:$0x1C200] =	vst v63  }
0xa0: {  	s9 =	smov.u32 s0;
	s0 =	sadd.s32 $0x20, s0;
	_ =	swait.ge [sflag:s19], $0x4000  }
0xa1: {  	s2 =	smov.u32 s9;
	s8 =	rddreg [dreg:$0x4];
	[sflag:s19] =	ssyncset.done $0x0  }
0xa2: {  	s0 =	sadd.s32 s2, s8  }
0xa3: {  	s9 =	sadd.s32 $0xFFFFFFF0, s2;
	s8 =	sadd.s32 $0xFFFFFFF0, s0  }
0xa4: {  	s9 =	sand.u32 $0x60, s9;
	s8 =	sand.u32 $0xFFFFF80, s8  }
0xa5: {  	s8 =	sor.u32 s9, s8  }
0xa6: {  	[sflag:s19] =	ssyncadd.s32 $0xFFFFC000;
	s9 =	sadd.s32 s5, s8  }
0xa7: {  	[tilespmem:s20], [sflag:$0x1] =	stream.linear.gather [hbm4b:s9+s4], $0x80, $0x38;
	[tilespmem:$0x1C200] =	vst v63  }
0xa8: {  	s8 =	sadd.s32 s6, s8  }
0xa9: {  	[tilespmem:s21], [sflag:$0x1] =	stream.linear.gather [hbm4b:s8+s4], $0x80, $0x38;
	[tilespmem:$0x1C200] =	vst v63  }
0xaa: {  	_ =	swait.ge [sflag:s24], $0x80  }
0xab: {  	[sflag:s24] =	ssyncset.done $0x0  }
0xac: {  	[sflag:s24] =	ssyncadd.s32 $0xFFFFFF80  }
0xad: {  	_ =	swait.ge [sflag:s24], $0x80  }
0xae: {  	[sflag:s24] =	ssyncset.done $0x0  }
0xaf: {  	[sflag:s24] =	ssyncadd.s32 $0xFFFFFF80  }
0xb0: {  	[tilespmem:s18], [sflag:$0x3] =	stream.indirect.gather [hbm4b:s1+s25], $0x80, s21, s25, $0xb8;
	[tilespmem:$0x1C200] =	vst v63  }
0xb1: {  	_ =	swait.ge [sflag:s30], $0x4000  }
0xb2: {  	[sflag:s30] =	ssyncset.done $0x0  }
0xb3: {  	[sflag:s30] =	ssyncadd.s32 $0xFFFFC000  }
0xb4: {  	[spmem:s3] =	stream.indirect.scatter.add.f32 [tilespmem:s28], [sflag:$0x5], $0x80, s22, s25, $0xb8;
	[tilespmem:$0x1C200] =	vst v63  }
0xb5: {  	s0 =	sand.u32 $0xFFFFF80, s0;
	s9 =	sand.u32 $0x70, s2;
	_ =	swait.ge [sflag:s19], $0x4000  }
0xb6: {  	s0 =	sor.u32 s9, s0;
	[sflag:s19] =	ssyncset.done $0x0  }
0xb7: {  	s2 =	sadd.s32 s5, s0;
	[sflag:s19] =	ssyncadd.s32 $0xFFFFC000  }
0xb8: {  	[tilespmem:s22], [sflag:$0x2] =	stream.linear.gather [hbm4b:s2+s4], $0x80, $0x38;
	[tilespmem:$0x1C200] =	vst v63  }
0xb9: {  	s0 =	sadd.s32 s6, s0  }
0xba: {  	[tilespmem:s23], [sflag:$0x2] =	stream.linear.gather [hbm4b:s0+s4], $0x80, $0x38;
	[tilespmem:$0x1C200] =	vst v63  }
0xbb: {  	_ =	swait.ge [sflag:s26], $0x80  }
0xbc: {  	[sflag:s26] =	ssyncset.done $0x0  }
0xbd: {  	[sflag:s26] =	ssyncadd.s32 $0xFFFFFF80  }
0xbe: {  	_ =	swait.ge [sflag:s26], $0x80  }
0xbf: {  	[sflag:s26] =	ssyncset.done $0x0  }
0xc0: {  	[sflag:s26] =	ssyncadd.s32 $0xFFFFFF80  }
0xc1: {  	[tilespmem:s28], [sflag:$0x4] =	stream.indirect.gather [hbm4b:s1+s25], $0x80, s23, s25, $0xb8;
	[tilespmem:$0x1C200] =	vst v63  }
0xc2: {  	_ =	swait.ge [sflag:s29], $0x4000  }
0xc3: {  	[sflag:s29] =	ssyncset.done $0x0  }
0xc4: {  	[sflag:s29] =	ssyncadd.s32 $0xFFFFC000  }
0xc5: {  	[spmem:s3] =	stream.indirect.scatter.add.f32 [tilespmem:s18], [sflag:$0x5], $0x80, s20, s25, $0xb8;
	[tilespmem:$0x1C200] =	vst v63  }
0xc6: {  	_ =	swait.ge [sflag:s19], $0x4000  }
0xc7: {  	[sflag:s19] =	ssyncset.done $0x0  }
0xc8: {  	[sflag:s19] =	ssyncadd.s32 $0xFFFFC000  }
0xc9: {  	_ =	swait.ge [sflag:s30], $0x4000  }
0xca: {  	[sflag:s30] =	ssyncset.done $0x0  }
0xcb: {  	[sflag:s30] =	ssyncadd.s32 $0xFFFFC000  }
0xcc: {  	[spmem:s3] =	stream.indirect.scatter.add.f32 [tilespmem:s28], [sflag:$0x5], $0x80, s22, s25, $0xb8;
	[tilespmem:$0x1C200] =	vst v63  }
0xcd: {  	s10 =	stileid.u32;
	_ =	swait.ge [sflag:s19], $0x4000  }
0xce: {  	s11 =	sshrl.u32 s7, $0x3;
	s31 =	sadd.s32 $0x1, s31;
	[sflag:s19] =	ssyncset.done $0x0  }
0xcf: {  	p0 =	sne.s32 s31, s17;
	s0 =	sshll.u32 s10, $0x6;
	[sflag:s19] =	ssyncadd.s32 $0xFFFFC000  }
.Ltmp2:
0xd0: {  	s0 =	sor.u32 $0x1C05, s0;
	[bflag:$0x0] =	sbarrier.arrive $0xFFFF;
	(pc) =	sbr.rel @p0 .LBB2_1-.Ltmp2, $4  }
0xd1: {  	[hbm:s16], [sflag:s0] =	dma.local [spmem:s11], $0x2800  }
0xd2: {  	_ =	swait.ge [sflag:s19], $0x2800  }
0xd3: {  	[sflag:s19] =	ssyncset.done $0x0  }
0xd4: {  	[sflag:s19] =	ssyncadd.s32 $0xFFFFD800  }
0xd5: {  	_ =	sfence.sel $0x180000  }
0xd6: {  	[bflag:$0x0] =	sbarrier.arrive $0xFFFF  }
0xd7: {  	_ =	strace $0x9000004A  }
0xd8: {  	s0 =	stileid.u32;
	[bflag:$0x2] =	sbarrier.arrive $0xFFFF  }
0xd9: {  	p0 =	sne.s32 s0, $0x0;
	s0 =	rddreg [dreg:$0x3]  }
0xda: {  	s0 =	sadd.s32 @!p0 $0x100000, s0  }
0xdb: {  	[sflag:s0] =	ssyncadd.tile.s32 @!p0 $0x1;
	_ =	shalt  }
.Lfunc_end2:
_tile_overlayer_lowered:
.L_overlay_start_2:
0xdc: {  	(tag) =	ssettag $0x2  }
0xdd: {  	s0 =	rddreg [dreg:$0x0];
	s2 =	stileid.u32  }
0xde: {  	s1 =	rddreg [dreg:$0x1];
	p0 =	sne.s32 s2, $0x0  }
0xdf: {  	s3 =	rddreg [dreg:$0x2];
	[bflag:$0x3] =	sbarrier.arrive $0xFFFF;
	s2 =	simm.s32 @!p0 $0x1C05  }
0xe0: {  	[timem:s3], [sflag:s2] =	dma.local @!p0 [hbm:s0], s1  }
0xe1: {  	s0 =	simm.s32 @!p0 $0x5  }
0xe2: {  	_ =	swait.ge @!p0 [sflag:s0], s1  }
0xe3: {  	s1 =	ssub.s32 @!p0 $0x0, s1;
	[sflag:s0] =	ssyncset.done @!p0 $0x0  }
0xe4: {  	[sflag:s0] =	ssyncadd.s32 @!p0 s1  }
0xe5: {  	[bflag:$0x3] =	sbarrier.arrive $0xFFFF  }
0xe6: {  	_ =	shalt  }

// kernel: kernel.7.cloned.1.call-start
scs
__scs_entry_jumppad:
0x0: {  	(pc) =	sbr.rel $0x88, $3  }
0x1: {  	(tag) =	ssettag $0x0;
	lr =	simm.s32 $0x1  }
0x2: {  	[smem:$0x3F9D] =	sst lr;
	_ =	strace $0xD0000000  }
0x3: {  	_ = 	snop  }
0x4: {  	_ = 	snop  }
0x5: {  	_ = 	snop  }
0x6: {  	_ = 	snop  }
0x7: {  	_ = 	snop  }
__scs_overlays_trampoline_lowered:
0x8: {  	[smem:$0x3FAC] =	sst s0  }
0x9: {  	[smem:$0x3FAD] =	sst s1  }
0xa: {  	[smem:$0x3FAE] =	sst s2  }
0xb: {  	[smem:$0x3FAF] =	sst s3  }
0xc: {  	[smem:$0x3FB0] =	sst s4  }
0xd: {  	[smem:$0x3FB1] =	sst s5  }
0xe: {  	[smem:$0x3FB2] =	sst s6  }
0xf: {  	[smem:$0x3FB3] =	sst s7  }
0x10: {  	[smem:$0x3FB4] =	sst s8  }
0x11: {  	[smem:$0x3FB5] =	sst s9;
	s0 =	simm.s32 @!p0 $0x0  }
0x12: {  	s1 =	sld [smem:$0x3F9B];
	s0 =	simm.s32 @p0 $0x1  }
0x13: {  	[smem:$0x3FB6] =	sst s0;
	s0 =	simm.s32 @!p1 $0x0  }
0x14: {  	s2 =	sld [smem:$0x3F9A];
	s0 =	simm.s32 @p1 $0x1  }
0x15: {  	[smem:$0x3FB7] =	sst s0;
	s0 =	simm.s32 @!p2 $0x0  }
0x16: {  	s3 =	sld [smem:$0x3FDB];
	s0 =	simm.s32 @p2 $0x1  }
0x17: {  	s4 =	simm.s32 $0x1BF5;
	[smem:$0x3FB9] =	sst s0  }
0x18: {  	s0 =	sld [smem:$0x3F9C];
	_ =	swait.ge [sflag:s4], $0x0  }
0x19: {  	s7 =	sld [smem:$0x3F9D]  }
0x1a: {  	s8 =	sadd.s32 $0xFFFFE003, lr  }
0x1b: {  	s9 =	sadd.s32 $0xFFFFFEF7, lr;
	s5 =	simm.s32 $0xFFFFFFFF;
	p2 =	slt.u32 s8, $0xFFFFF086  }
0x1c: {  	p1 =	slt.u32 s9, $0xF7A;
	s5 =	simm.s32 @!p2 $0x0  }
0x1d: {  	s5 =	simm.s32 @p1 $0x1;
	p0 =	seq.s32 s7, s2  }
0x1e: {  	s7 =	smul.u32 @!p0 $0xF7A, s2;
	p2 =	seq.s32 @!p0 s5, $0x0  }
0x1f: {  	s9 =	smul.u32 $0xF7A, s1;
	s8 =	simm.s32 @!p0 $0x1BF5;
	p2 =	por !p2, p0  }
0x20: {  	[sflag:s8] =	ssyncset.s32 @!p0 $0xFFFFF086;
	s6 =	sadd.s32 @!p0 s3, s7;
	s7 =	simm.s32 @!p0 $0x108  }
0x21: {  	s3 =	sadd.s32 s3, s9;
	s6 =	sadd.s32 @!p0 $0x88, s6;
	s7 =	simm.s32 @p2 $0x1082  }
0x22: {  	[simem:s7], [sflag:s8] =	dma.local @!p0 [hbm:s6], $0xF7A  }
0x23: {  	s9 =	sor.u32 $0xD0000000, s2;
	s6 =	simm.s32 $0x108;
	_ =	swait.ge @!p0 [sflag:s8], $0x0  }
0x24: {  	s3 =	sadd.s32 $0x88, s3;
	s6 =	simm.s32 @!p1 $0x1082;
	[sflag:s4] =	ssyncset.s32 $0xFFFFF086  }
0x25: {  	[simem:s6], [sflag:s4] =	dma.local [hbm:s3], $0xF7A  }
0x26: {  	[smem:$0x3F9D] =	sst s1;
	(tag) =	ssettag s2;
	_ =	strace s9  }
0x27: {  	s1 =	sld [smem:$0x3FAD]  }
0x28: {  	s2 =	sld [smem:$0x3FAE]  }
0x29: {  	s4 =	sld [smem:$0x3FB0]  }
0x2a: {  	p0 =	seq.s32 s5, $0x0;
	s5 =	sld [smem:$0x3FB1]  }
0x2b: {  	s6 =	sld [smem:$0x3FB2]  }
0x2c: {  	s7 =	sld [smem:$0x3FB3]  }
0x2d: {  	s3 =	simm.s32 $0x108;
	s8 =	sld [smem:$0x3FB4]  }
0x2e: {  	s3 =	simm.s32 @!p0 $0x1082;
	s9 =	sld [smem:$0x3FB5]  }
0x2f: {  	lr =	sadd.s32 s0, s3;
	s0 =	sld [smem:$0x3FAC]  }
0x30: {  	s3 =	sld [smem:$0x3FAF]  }
0x31: {  	[smem:$0x3FB8] =	sst s10  }
0x32: {  	s10 =	sld [smem:$0x3FB6];
	_ =	sdelay $0x3  }
0x33: {  	p0 =	seq.s32 s10, $0x1;
	s10 =	sld [smem:$0x3FB8];
	_ =	sdelay $0x3  }
0x34: {  	[smem:$0x3FB8] =	sst s10  }
0x35: {  	s10 =	sld [smem:$0x3FB7];
	_ =	sdelay $0x3  }
0x36: {  	p1 =	seq.s32 s10, $0x1;
	s10 =	sld [smem:$0x3FB8];
	_ =	sdelay $0x3  }
0x37: {  	[smem:$0x3FB8] =	sst s10  }
0x38: {  	s10 =	sld [smem:$0x3FB9]  }
0x39: {  	_ = 	snop;
	(pc) =	sbr.ind lr, $3  }
0x3a: {  	_ = 	snop  }
0x3b: {  	_ = 	snop  }
0x3c: {  	p2 =	seq.s32 s10, $0x1;
	s10 =	sld [smem:$0x3FB8]  }
0x3d: {  	_ =	shalt  }
0x3e: {  	_ =	shalt  }
0x3f: {  	_ =	shalt  }
0x40: {  	_ =	shalt  }
0x41: {  	_ =	shalt  }
0x42: {  	_ =	shalt  }
0x43: {  	_ =	shalt  }
0x44: {  	_ =	shalt  }
0x45: {  	_ =	shalt  }
0x46: {  	_ =	shalt  }
0x47: {  	_ =	shalt  }
0x48: {  	_ =	shalt  }
0x49: {  	_ =	shalt  }
0x4a: {  	_ =	shalt  }
0x4b: {  	_ =	shalt  }
0x4c: {  	_ =	shalt  }
0x4d: {  	_ =	shalt  }
0x4e: {  	_ =	shalt  }
0x4f: {  	_ =	shalt  }
0x50: {  	_ =	shalt  }
0x51: {  	_ =	shalt  }
0x52: {  	_ =	shalt  }
0x53: {  	_ =	shalt  }
0x54: {  	_ =	shalt  }
0x55: {  	_ =	shalt  }
0x56: {  	_ =	shalt  }
0x57: {  	_ =	shalt  }
0x58: {  	_ =	shalt  }
0x59: {  	_ =	shalt  }
0x5a: {  	_ =	shalt  }
0x5b: {  	_ =	shalt  }
0x5c: {  	_ =	shalt  }
0x5d: {  	_ =	shalt  }
0x5e: {  	_ =	shalt  }
0x5f: {  	_ =	shalt  }
0x60: {  	_ =	shalt  }
0x61: {  	_ =	shalt  }
0x62: {  	_ =	shalt  }
0x63: {  	_ =	shalt  }
0x64: {  	_ =	shalt  }
0x65: {  	_ =	shalt  }
0x66: {  	_ =	shalt  }
0x67: {  	_ =	shalt  }
0x68: {  	_ =	shalt  }
0x69: {  	_ =	shalt  }
0x6a: {  	_ =	shalt  }
0x6b: {  	_ =	shalt  }
0x6c: {  	_ =	shalt  }
0x6d: {  	_ =	shalt  }
0x6e: {  	_ =	shalt  }
0x6f: {  	_ =	shalt  }
0x70: {  	_ =	shalt  }
0x71: {  	_ =	shalt  }
0x72: {  	_ =	shalt  }
0x73: {  	_ =	shalt  }
0x74: {  	_ =	shalt  }
0x75: {  	_ =	shalt  }
0x76: {  	_ =	shalt  }
0x77: {  	_ =	shalt  }
0x78: {  	_ =	shalt  }
0x79: {  	_ =	shalt  }
0x7a: {  	_ =	shalt  }
0x7b: {  	_ =	shalt  }
0x7c: {  	_ =	shalt  }
0x7d: {  	_ =	shalt  }
0x7e: {  	_ =	shalt  }
0x7f: {  	_ =	shalt  }
0x80: {  	_ =	shalt  }
0x81: {  	_ =	shalt  }
0x82: {  	_ =	shalt  }
0x83: {  	_ =	shalt  }
0x84: {  	_ =	shalt  }
0x85: {  	_ =	shalt  }
0x86: {  	_ =	shalt  }
0x87: {  	_ =	shalt  }
.Lfunc_end0:
.L_simem_size_0:
called_computation_lowered:
.L_overlay_start_0:
0x88: {  	s2 =	sld [smem:$0x3FD9]  }
0x89: {  	s3 =	sld [smem:$0x3FFE];
	_ =	sdelay $0x1  }
0x8a: {  	s1 =	srdreg.scid  }
0x8b: {  	s0 =	sand.u32 $0x1, s1  }
0x8c: {  	s16 =	sshll.u32 s0, $0xA;
	s2 =	sadd.s32 s3, s2  }
0x8d: {  	s2 =	sadd.s32 s2, s16  }
0x8e: {  	[smem:$0x3FC4] =	sst s2  }
0x8f: {  	_ = 	snop  }
0x90: {  	(tm) =	ssettm $0x1  }
0x91: {  	s17 =	sld [smem:$0x3FFB];
	_ =	sdelay $0x3  }
0x92: {  	_ =	strace s17  }
0x93: {  	s2 =	sld [smem:$0x3FFC];
	_ =	sdelay $0x3  }
0x94: {  	_ =	strace s2  }
0x95: {  	s2 =	sld [smem:$0x3FFD];
	_ =	sdelay $0x3  }
0x96: {  	_ =	strace s2  }
0x97: {  	_ =	strace $0x8FFFFFFF  }
0x98: {  	s18 =	sld [smem:$0x3FDB];
	_ =	sdelay $0x1  }
0x99: {  	s19 =	simm.s32 $_scs_section_size  }
0x9a: {  	s4 =	simm.s32 $_size__tile_overlayer_lowered;
	s5 =	simm.s32 $_tile_overlayer_lowered  }
0x9b: {  	s22 =	simm.s32 $0x1BFF;
	s21 =	sshll.u32 s5, $0x1;
	s2 =	sadd.s32 s19, s18  }
0x9c: {  	s6 =	simm.s32 $0x0;
	s20 =	sshll.u32 s4, $0x1;
	s4 =	sadd.s32 s21, s2  }
0x9d: {  	[timem:s6], [sflag:s22] =	dma.local [hbm:s4], s20  }
0x9e: {  	_ =	swait.ge [sflag:s22], s20  }
0x9f: {  	s3 =	ssub.s32 $0x0, s20;
	[sflag:s22] =	ssyncset.done $0x0  }
0xa0: {  	[sflag:s22] =	ssyncadd.s32 s3;
	_ =	sdelay $0x1  }
0xa1: {  	s23 =	simm.s32 $0x1B8B  }
0xa2: {  	_ =	swait.ge [sflag:s23], $0x1  }
0xa3: {  	[sflag:s23] =	ssyncset.done $0x0  }
0xa4: {  	s25 =	simm.s32 $0x1B8E;
	s24 =	sld [smem:$0x3FFE];
	[sflag:s23] =	ssyncadd.s32 $0xFFFFFFFF  }
0xa5: {  	s26 =	simm.s32 $execute0_lowered;
	[smem:$0x3FD2] =	sst s25  }
0xa6: {  	s4 =	sshll.u32 s26, $0x1;
	_ =	strace $0x80000046;
	[dreg:$0x1] =	wrdreg $0xFFFFFFFF  }
0xa7: {  	s28 =	simm.s32 $_size_execute0_lowered;
	s2 =	sadd.s32 s2, s4;
	[dreg:$0x0] =	wrdreg $0x0  }
0xa8: {  	s4 =	sshll.u32 s28, $0x1;
	[dreg:$0x2] =	wrdreg s2  }
0xa9: {  	[dreg:$0x3] =	wrdreg s4  }
0xaa: {  	[dreg:$0x4] =	wrdreg $0xC0  }
0xab: {  	_ =	task [dreg:s6], $0x5FFFF  }
0xac: {  	[dreg:$0x1] =	wrdreg $0xFFFFFFFF  }
0xad: {  	[dreg:$0x0] =	wrdreg $0x60  }
0xae: {  	[dreg:$0x2] =	wrdreg s24  }
0xaf: {  	[dreg:$0x3] =	wrdreg $0x0  }
0xb0: {  	[dreg:$0x4] =	wrdreg $0x9  }
0xb1: {  	_ =	task.clear_ibuf [dreg:s6], $0x5FFFF;
	_ =	strace $0x90000046  }
0xb2: {  	s29 =	simm.s32 $0x9;
	_ =	strace $0x80000048  }
0xb3: {  	_ =	swait.ge [sflag:s29], $0x1  }
0xb4: {  	[sflag:s29] =	ssyncadd.s32 $0xFFFFFFFF  }
0xb5: {  	_ =	strace $0x90000048  }
0xb6: {  	_ =	sfence  }
0xb7: {  	s30 =	sld [smem:$0x0];
	_ =	sdelay $0x2  }
0xb8: {  	s31 =	sshll.u32 s1, $0xD;
	s1 =	sshrl.u32 s1, $0x2  }
0xb9: {  	s3 =	sand.u32 $0x4000, s31;
	s1 =	sadd.s32 s1, s30  }
0xba: {  	s0 =	sor.u32 s3, s0;
	s1 =	sshll.u32 s1, $0x11  }
0xbb: {  	s0 =	sor.u32 s1, s0  }
0xbc: {  	s0 =	sadd.s32 $0x8F2B, s0  }
0xbd: {  	[sflag:s0] =	ssyncadd.remote.s32 $0x1  }
0xbe: {  	_ =	sfence.sel $0xFFFF  }
0xbf: {  	[dreg:$0x0] =	wrdreg $0xFFFFFFFF;
	(pc) =	sbr.abs _section_cstart, $3  }
0xc0: {  	[dreg:$0x1] =	wrdreg $0xFFFFFFFF  }
0xc1: {  	_ =	task.clear_ibuf [dreg:s6], $0x2FFFF;
	_ =	strace $0x9FFFFFFF  }
0xc2: {  	(tm) =	ssettm $0x7FFFFFFF  }
0xc3: {  	_ =	shalt  }
tec
execute0_lowered:
.L_overlay_start_1:
0x0: {  	(tag) =	ssettag $0x1  }
0x1: {  	s4 =	rddreg [dreg:$0x0]  }
0x2: {  	s1 =	rddreg [dreg:$0x1]  }
0x3: {  	s2 =	srdreg.scid;
	s0 =	rddreg [dreg:$0x2];
	s3 =	simm.s32 $0x0  }
0x4: {  	s13 =	simm.s32 $0x1A880;
	s14 =	simm.s32 $0x1;
	s15 =	simm.s32 $0x80  }
0x5: {  	s16 =	simm.s32 $0x2800;
	s17 =	simm.s32 $0x2;
	s5 =	sand.u32 $0x1, s2  }
0x6: {  	s20 =	simm.s32 $0x0;
	s2 =	stileid.u32;
	s6 =	smul.u32 $0x140000, s5  }
0x7: {  	[smem:$0x7FF] =	sst s3;
	s8 =	sadd.s32 $0x1400, s4;
	s7 =	smul.u32 $0x14000, s2  }
0x8: {  	_ =	strace $0x80000047;
	s28 =	sshll.u32 s5, $0x4;
	s10 =	smul.u32 $0x50000, s2  }
0x9: {  	s9 =	ssub.s32 $0x2, s5;
	s29 =	smul.u32 $0x5000, s5;
	s18 =	sshll.u32 s2, $0x6  }
0xa: {  	s31 =	smul.u32 $0x500, s2;
	s11 =	sshrl.u32 s9, $0x1;
	s18 =	sor.u32 $0x1C03, s18  }
0xb: {  	s6 =	sadd.s32 s7, s6;
	s7 =	sor.u32 s2, s28;
	s9 =	ssub.s32 s9, s11  }
0xc: {  	s30 =	sshrl.u32 s10, $0x2;
	s11 =	sadd.s32 s29, s8;
	s7 =	smul.u32 $0x500, s7  }
0xd: {  	s10 =	simm.s32 $0x6800;
	s6 =	sshrl.u32 s6, $0x3;
	s5 =	sadd.s32 s30, s1  }
0xe: {  	s12 =	sadd.s32 s6, s4;
	s19 =	sshrl.u32 s5, $0x3;
	s4 =	sadd.s32 s8, s7  }
0xf: {  	s7 =	sadd.s32 $0x15400, s12;
	s8 =	smax.u32 s9, $0x1;
	s9 =	sadd.s32 s31, s11  }
0x10: {  	v0 =	vimm.f32 $1.000000000e+00;
	v1 =	vimm.f32 $0.0e+00;
	s11 =	simm.s32 $0x3;
	s12 =	simm.s32 $0x1A800;
	s6 =	sadd.s32 $0x10, s4  }
.LBB2_1:
0x11: {  	s21 =	simm.s32 $0x0  }
.LBB2_2:
0x12: {  	p0 =	sne.s32 s21, $0xFE00  }
.Ltmp0:
0x13: {  	_ = 	snop;
	(pc) =	sbr.rel @p0 .LBB2_2-.Ltmp0, $3  }
0x14: {  	_ =	sdelay $0x1  }
0x15: {  	s22 =	sshra.s32 s21, $0x2  }
0x16: {  	s21 =	sadd.s32 $0x200, s21;
	[tilespmem:s22+$0x2800] =	vst v0  }
0x17: {  	s21 =	simm.s32 $0x200;
	s22 =	simm.s32 $0x0  }
.LBB2_4:
0x18: {  	p0 =	sne.s32 s21, $0x4FE00;
	[tilespmem:s22+$0x6800] =	vst v1;
	s22 =	smov.u32 s21;
	s21 =	sadd.s32 $0x200, s21  }
.Ltmp1:
0x19: {  	(pc) =	sbr.rel @p0 .LBB2_4-.Ltmp1, $2  }
0x1a: {  	_ =	sdelay $0x2  }
0x1b: {  	s22 =	sshra.s32 s22, $0x2  }
0x1c: {  	[tilespmem:s22+$0x6800] =	vst v1  }
0x1d: {  	[spmem:s5] =	stream.linear.scatter [tilespmem:s10], [sflag:$0x3], $0x14000, $0x38;
	[tilespmem:$0x1A900] =	vst v63  }
0x1e: {  	_ =	swait.ge [sflag:s11], $0x14000  }
0x1f: {  	[sflag:s11] =	ssyncset.done $0x0  }
0x20: {  	[sflag:s11] =	ssyncadd.s32 $0xFFFEC000  }
0x21: {  	[bflag:$0x0] =	sbarrier.arrive $0xFFFF  }
0x22: {  	[tilespmem:s12], [sflag:$0x1] =	stream.linear.gather [hbm4b:s4+s3], $0x80, $0x38;
	[tilespmem:$0x1A900] =	vst v63  }
0x23: {  	_ = 	snop  }
0x24: {  	[tilespmem:s13], [sflag:$0x2] =	stream.linear.gather [hbm4b:s6+s3], $0x80, $0x38;
	[tilespmem:$0x1A900] =	vst v63  }
0x25: {  	_ =	swait.ge [sflag:s14], $0x80  }
0x26: {  	[sflag:s14] =	ssyncset.done $0x0  }
0x27: {  	[sflag:s14] =	ssyncadd.s32 $0xFFFFFF80  }
0x28: {  	[spmem:s1] =	stream.indirect.scatter.add.f32 [tilespmem:s16], [sflag:$0x3], $0x10, s12, s15, $0xb8;
	[tilespmem:$0x1A900] =	vst v63  }
0x29: {  	_ =	swait.ge [sflag:s11], $0x800  }
0x2a: {  	s31 =	sadd.s32 $0xFFFFFB20, s9;
	[sflag:s11] =	ssyncset.done $0x0  }
0x2b: {  	s21 =	sadd.s32 $0x500, s31;
	[sflag:s11] =	ssyncadd.s32 $0xFFFFF800  }
0x2c: {  	[tilespmem:s12], [sflag:$0x1] =	stream.linear.gather [hbm4b:s21+s3], $0x80, $0x38;
	[tilespmem:$0x1A900] =	vst v63  }
0x2d: {  	_ =	swait.ge [sflag:s17], $0x80  }
0x2e: {  	[sflag:s17] =	ssyncset.done $0x0  }
0x2f: {  	[sflag:s17] =	ssyncadd.s32 $0xFFFFFF80  }
0x30: {  	[spmem:s1] =	stream.indirect.scatter.add.f32 [tilespmem:s16], [sflag:$0x3], $0x10, s13, s15, $0xb8;
	[tilespmem:$0x1A900] =	vst v63  }
0x31: {  	_ =	swait.ge [sflag:s11], $0x800  }
0x32: {  	[sflag:s11] =	ssyncset.done $0x0  }
0x33: {  	s22 =	sadd.s32 $0x510, s31;
	s21 =	simm.s32 $0xFFFFFB40;
	[sflag:s11] =	ssyncadd.s32 $0xFFFFF800  }
.LBB2_6:
0x34: {  	[tilespmem:s13], [sflag:$0x2] =	stream.linear.gather [hbm4b:s22+s3], $0x80, $0x38;
	[tilespmem:$0x1A900] =	vst v63  }
0x35: {  	s22 =	smov.u32 s21  }
0x36: {  	p0 =	sne.s32 s21, $0xFFFFFFE0;
	s21 =	sadd.s32 $0x20, s21;
	_ =	swait.ge [sflag:s14], $0x80  }
0x37: {  	[sflag:s14] =	ssyncset.done $0x0  }
0x38: {  	[sflag:s14] =	ssyncadd.s32 $0xFFFFFF80  }
0x39: {  	[spmem:s1] =	stream.indirect.scatter.add.f32 [tilespmem:s16], [sflag:$0x3], $0x10, s12, s15, $0xb8;
	[tilespmem:$0x1A900] =	vst v63  }
0x3a: {  	_ =	swait.ge [sflag:s11], $0x800  }
0x3b: {  	s22 =	sadd.s32 s22, s9;
	[sflag:s11] =	ssyncset.done $0x0  }
0x3c: {  	s23 =	sadd.s32 $0x500, s22;
	[sflag:s11] =	ssyncadd.s32 $0xFFFFF800  }
0x3d: {  	[tilespmem:s12], [sflag:$0x1] =	stream.linear.gather [hbm4b:s23+s3], $0x80, $0x38;
	[tilespmem:$0x1A900] =	vst v63  }
0x3e: {  	_ =	swait.ge [sflag:s17], $0x80  }
0x3f: {  	[sflag:s17] =	ssyncset.done $0x0  }
.Ltmp2:
0x40: {  	[sflag:s17] =	ssyncadd.s32 $0xFFFFFF80;
	(pc) =	sbr.rel @p0 .LBB2_6-.Ltmp2, $4  }
0x41: {  	[spmem:s1] =	stream.indirect.scatter.add.f32 [tilespmem:s16], [sflag:$0x3], $0x10, s13, s15, $0xb8;
	[tilespmem:$0x1A900] =	vst v63  }
0x42: {  	_ =	swait.ge [sflag:s11], $0x800  }
0x43: {  	[sflag:s11] =	ssyncset.done $0x0  }
0x44: {  	s22 =	sadd.s32 $0x510, s22;
	[sflag:s11] =	ssyncadd.s32 $0xFFFFF800  }
0x45: {  	[tilespmem:s13], [sflag:$0x2] =	stream.linear.gather [hbm4b:s22+s3], $0x80, $0x38;
	[tilespmem:$0x1A900] =	vst v63  }
0x46: {  	_ =	swait.ge [sflag:s14], $0x80  }
0x47: {  	[sflag:s14] =	ssyncset.done $0x0  }
0x48: {  	[sflag:s14] =	ssyncadd.s32 $0xFFFFFF80  }
0x49: {  	[spmem:s1] =	stream.indirect.scatter.add.f32 [tilespmem:s16], [sflag:$0x3], $0x10, s12, s15, $0xb8;
	[tilespmem:$0x1A900] =	vst v63  }
0x4a: {  	_ =	swait.ge [sflag:s11], $0x800  }
0x4b: {  	[sflag:s11] =	ssyncset.done $0x0  }
0x4c: {  	[sflag:s11] =	ssyncadd.s32 $0xFFFFF800  }
0x4d: {  	_ =	swait.ge [sflag:s17], $0x80  }
0x4e: {  	[sflag:s17] =	ssyncset.done $0x0  }
0x4f: {  	[sflag:s17] =	ssyncadd.s32 $0xFFFFFF80  }
0x50: {  	[spmem:s1] =	stream.indirect.scatter.add.f32 [tilespmem:s16], [sflag:$0x3], $0x10, s13, s15, $0xb8;
	[tilespmem:$0x1A900] =	vst v63  }
0x51: {  	_ =	swait.ge [sflag:s11], $0x800  }
0x52: {  	s20 =	sadd.s32 $0x1, s20;
	[sflag:s11] =	ssyncset.done $0x0  }
0x53: {  	p0 =	sne.s32 s20, s8;
	[sflag:s11] =	ssyncadd.s32 $0xFFFFF800  }
.Ltmp3:
0x54: {  	[bflag:$0x0] =	sbarrier.arrive $0xFFFF;
	(pc) =	sbr.rel @p0 .LBB2_1-.Ltmp3, $4  }
0x55: {  	[hbm:s7], [sflag:s18] =	dma.local [spmem:s19], $0x2800  }
0x56: {  	_ =	swait.ge [sflag:s11], $0x2800  }
0x57: {  	[sflag:s11] =	ssyncset.done $0x0  }
0x58: {  	[sflag:s11] =	ssyncadd.s32 $0xFFFFD800  }
0x59: {  	_ =	sfence.sel $0x180000  }
0x5a: {  	[bflag:$0x0] =	sbarrier.arrive $0xFFFF  }
0x5b: {  	p0 =	sne.s32 s2, $0x0;
	_ =	strace $0x90000047  }
0x5c: {  	s0 =	sadd.s32 @!p0 $0x100000, s0;
	[bflag:$0x2] =	sbarrier.arrive $0xFFFF  }
0x5d: {  	[sflag:s0] =	ssyncadd.tile.s32 @!p0 $0x1;
	_ =	shalt  }
.Lfunc_end2:
_tile_overlayer_lowered:
.L_overlay_start_2:
0x5e: {  	(tag) =	ssettag $0x2  }
0x5f: {  	s0 =	rddreg [dreg:$0x0];
	s2 =	stileid.u32  }
0x60: {  	s1 =	rddreg [dreg:$0x1];
	p0 =	sne.s32 s2, $0x0  }
0x61: {  	s3 =	rddreg [dreg:$0x2];
	[bflag:$0x3] =	sbarrier.arrive $0xFFFF;
	s2 =	simm.s32 @!p0 $0x1C03  }
0x62: {  	[timem:s3], [sflag:s2] =	dma.local @!p0 [hbm:s0], s1  }
0x63: {  	s0 =	simm.s32 @!p0 $0x3  }
0x64: {  	_ =	swait.ge @!p0 [sflag:s0], s1  }
0x65: {  	s1 =	ssub.s32 @!p0 $0x0, s1;
	[sflag:s0] =	ssyncset.done @!p0 $0x0  }
0x66: {  	[sflag:s0] =	ssyncadd.s32 @!p0 s1  }
0x67: {  	[bflag:$0x3] =	sbarrier.arrive $0xFFFF  }
0x68: {  	_ =	shalt  }

</sc_bundles>
